<compile_context>
chip_gen: v7x
topology: tpu7x:2x2x1
jax: 0.10.2.dev20260603
libtpu: 0.0.44.dev20260713+nightly
codegen_flags: <defaults>
</compile_context>

<pallas_src>
import functools

import jax
import jax.numpy as jnp
from jax import lax
from jax.experimental import pallas as pl
from jax.experimental.pallas import tpu as pltpu
from jax.experimental.pallas import tpu_sc as plsc

NUM_CORES = 2
NUM_SUBCORES = 16
NW = NUM_CORES * NUM_SUBCORES
LANES = 16
UNROLL = 16


@functools.lru_cache(maxsize=None)
def _make_gather_t(FD, V, B, D):
    rows_per_w = FD // NW
    HB = 4096
    nh = B // HB
    mesh = plsc.VectorSubcoreMesh(core_axis_name="c", subcore_axis_name="s")

    @functools.partial(
        pl.kernel,
        out_type=jax.ShapeDtypeStruct((FD, B), jnp.float32),
        mesh=mesh,
        scratch_types=[
            pltpu.VMEM((V,), jnp.float32),
            pltpu.VMEM((HB,), jnp.int32),
            pltpu.VMEM((HB,), jnp.int32),
            pltpu.VMEM((HB,), jnp.float32),
            pltpu.VMEM((HB,), jnp.float32),
            pltpu.SemaphoreType.DMA,
            pltpu.SemaphoreType.DMA,
            pltpu.SemaphoreType.DMA,
            pltpu.SemaphoreType.DMA,
            pltpu.SemaphoreType.DMA,
        ],
        compiler_params=pltpu.CompilerParams(needs_layout_passes=False),
    )
    def k(tab_hbm, idx_hbm, out_hbm, tab_v, idx_a, idx_b, out_a, out_b,
          s_lo, s_hi, s_ia, s_ib, s_out):
        wid = lax.axis_index("s") * NUM_CORES + lax.axis_index("c")
        c0 = wid * rows_per_w
        idx_bufs = (idx_a, idx_b)
        idx_sems = (s_ia, s_ib)
        out_bufs = (out_a, out_b)

        def start_tab(c):
            pltpu.async_copy(tab_hbm.at[c], tab_v, s_lo)

        def wait_tab(c):
            pltpu.make_async_copy(tab_hbm.at[c], tab_v, s_lo).wait()

        def start_idx(f, h, slot):
            pltpu.async_copy(idx_hbm.at[f, pl.ds(h * HB, HB)],
                             idx_bufs[slot], idx_sems[slot])

        def wait_idx(slot):
            pltpu.make_async_copy(idx_hbm.at[0, pl.ds(0, HB)],
                                  idx_bufs[slot], idx_sems[slot]).wait()

        def wait_out(slot):
            pltpu.make_async_copy(out_bufs[slot],
                                  out_hbm.at[c0, pl.ds(0, HB)], s_out).wait()

        def row_body(j, carry):
            c = c0 + j
            f = c // D
            f_nxt = (c + 1) // D
            wait_tab(c)
            for h in range(nh):
                slot = h % 2
                if h + 1 < nh:
                    start_idx(f, h + 1, (h + 1) % 2)
                else:
                    @pl.when(j < rows_per_w - 1)
                    def _():
                        start_idx(f_nxt, 0, (h + 1) % 2)
                wait_idx(slot)
                if h < 2:
                    @pl.when(j > 0)
                    def _():
                        wait_out(slot)
                else:
                    wait_out(slot)
                buf = idx_bufs[slot]
                obuf = out_bufs[slot]

                def body(kk, carry3, buf=buf, obuf=obuf):
                    base = kk * (UNROLL * LANES)
                    ivs = [buf[pl.ds(base + u * LANES, LANES)]
                           for u in range(UNROLL)]
                    gs = [plsc.load_gather(tab_v, [iv]) for iv in ivs]
                    for u in range(UNROLL):
                        obuf[pl.ds(base + u * LANES, LANES)] = gs[u]
                    return carry3

                lax.fori_loop(0, HB // (UNROLL * LANES), body, 0)
                if h == nh - 1:
                    @pl.when(j < rows_per_w - 1)
                    def _():
                        start_tab(c + 1)
                pltpu.async_copy(obuf, out_hbm.at[c, pl.ds(h * HB, HB)], s_out)
            return carry

        start_tab(c0)
        start_idx(c0 // D, 0, 0)
        lax.fori_loop(0, rows_per_w, row_body, 0)
        wait_out(0)
        wait_out(1)

    return k


def kernel(category_inputs, tables):
    B, F = category_inputs.shape
    _, V, D = tables.shape
    idx_t = category_inputs.astype(jnp.int32).T
    tab_t = jnp.transpose(tables, (0, 2, 1)).reshape(F * D, V)
    out_t = _make_gather_t(F * D, V, B, D)(tab_t, idx_t)
    return out_t.T

# --- scband reference (transcript-rebuilt; emitter-appended) ---
"""Pipeline reference for scband-feature-extractor-69930657513909 (READ-ONLY COPY).

The authoritative reference and input builder live on the scoring server;
editing this copy changes nothing except your own understanding.
"""

import jax, jax.numpy as jnp
import numpy as np

NUM_FIELDS = 26
VOCAB = 100000
EMBED_DIM = 32
BATCH = 16384

def setup_inputs(seed: int = 0) -> dict:
    key = jax.random.key(seed)
    k_idx, k_tab = jax.random.split(key)
    category_inputs = jax.random.randint(k_idx, (BATCH, NUM_FIELDS), 0, VOCAB, dtype=jnp.int64 if jax.config.jax_enable_x64 else jnp.int32)
    # One embedding table per field, all same (vocab, dim) -> stacked [F, V, D]
    tables = jax.random.normal(k_tab, (NUM_FIELDS, VOCAB, EMBED_DIM), dtype=jnp.float32) * 0.02
    return {"category_inputs": category_inputs, "tables": tables}

def reference(category_inputs, tables):
    # Faithful translation: per-field embedding lookup, then concat along feature dim
    h = [jnp.take(tables[i], category_inputs[:, i], axis=0) for i in range(NUM_FIELDS)]
    return jnp.concatenate(h, axis=1)

if __name__ == "__main__":
    import jax
    _d = setup_inputs()
    print(jax.jit(kernel)(*tuple(_d.values())))

</pallas_src>

<mosaic_0001>
#map = affine_map<(d0, d1) -> (0, 0)>
module attributes {stable_mosaic.version = 14 : i64} {
  func.func @k(%arg0: i32, %arg1: i32, %arg2: memref<832x100000xf32, #tpu.memory_space<hbm>>, %arg3: memref<26x16384xi32, #tpu.memory_space<hbm>>, %arg4: memref<832x16384xf32, #tpu.memory_space<hbm>>, %arg5: memref<100000xf32, #tpu.memory_space<vmem>>, %arg6: memref<4096xi32, #tpu.memory_space<vmem>>, %arg7: memref<4096xi32, #tpu.memory_space<vmem>>, %arg8: memref<4096xf32, #tpu.memory_space<vmem>>, %arg9: memref<4096xf32, #tpu.memory_space<vmem>>, %arg10: memref<!tpu.dma_semaphore, #tpu.memory_space<semaphore_mem>>, %arg11: memref<!tpu.dma_semaphore, #tpu.memory_space<semaphore_mem>>, %arg12: memref<!tpu.dma_semaphore, #tpu.memory_space<semaphore_mem>>, %arg13: memref<!tpu.dma_semaphore, #tpu.memory_space<semaphore_mem>>, %arg14: memref<!tpu.dma_semaphore, #tpu.memory_space<semaphore_mem>>) attributes {dimension_semantics = [#tpu.dimension_semantics<core_parallel>, #tpu.dimension_semantics<subcore_parallel>], iteration_bounds = array<i64: 2, 16>, scalar_prefetch = 0 : i64, scratch_operands = 10 : i64, tpu.core_type = #tpu.core_type<sc_vector_subcore>, window_params = [{transform_indices = #map}, {transform_indices = #map}, {transform_indices = #map}]} {
    %mul3A = arith.constant 2 : i32
    %mul3A_0 = arith.muli %arg1, %mul3A : i32
    %add3A = arith.addi %mul3A_0, %arg0 : i32
    %mul3A_1 = arith.constant 26 : i32
    %mul3A_2 = arith.muli %add3A, %mul3A_1 : i32
    %dma_start3A = arith.constant 0 : i32
    %dma_start3A_3 = tpu.memref_slice %arg2[%mul3A_2, %dma_start3A] : memref<832x100000xf32, #tpu.memory_space<hbm>> -> memref<1x100000xf32, #tpu.memory_space<hbm>>
    %dma_start3A_4 = tpu.memref_squeeze %dma_start3A_3 : memref<1x100000xf32, #tpu.memory_space<hbm>> -> memref<100000xf32, #tpu.memory_space<hbm>>
    %dma_start3A_5 = arith.constant 0 : i32
    %dma_start3A_6 = tpu.memref_slice %arg2[%mul3A_2, %dma_start3A_5] : memref<832x100000xf32, #tpu.memory_space<hbm>> -> memref<1x100000xf32, #tpu.memory_space<hbm>>
    %dma_start3A_7 = tpu.memref_squeeze %dma_start3A_6 : memref<1x100000xf32, #tpu.memory_space<hbm>> -> memref<100000xf32, #tpu.memory_space<hbm>>
    tpu.enqueue_dma source(%dma_start3A_7 : memref<100000xf32, #tpu.memory_space<hbm>>) target(%arg5 : memref<100000xf32, #tpu.memory_space<vmem>>) target_semaphore(%arg10 : memref<!tpu.dma_semaphore, #tpu.memory_space<semaphore_mem>>)
    %jit3A = arith.constant 32 : i32
    %div3A = arith.divsi %mul3A_2, %jit3A : i32
    %sign3A = arith.constant 0 : i32
    %sign3A_8 = arith.cmpi sgt, %mul3A_2, %sign3A : i32
    %sign3A_9 = arith.extui %sign3A_8 : i1 to i32
    %sign3A_10 = arith.constant 0 : i32
    %sign3A_11 = arith.cmpi slt, %mul3A_2, %sign3A_10 : i32
    %sign3A_12 = arith.extui %sign3A_11 : i1 to i32
    %sign3A_13 = arith.subi %sign3A_9, %sign3A_12 : i32
    %sign3A_14 = arith.constant 0 : i32
    %sign3A_15 = arith.cmpi sgt, %jit3A, %sign3A_14 : i32
    %sign3A_16 = arith.extui %sign3A_15 : i1 to i32
    %sign3A_17 = arith.constant 0 : i32
    %sign3A_18 = arith.cmpi slt, %jit3A, %sign3A_17 : i32
    %sign3A_19 = arith.extui %sign3A_18 : i1 to i32
    %sign3A_20 = arith.subi %sign3A_16, %sign3A_19 : i32
    %ne3A = arith.cmpi ne, %sign3A_13, %sign3A_20 : i32
    %rem3A = arith.remsi %mul3A_2, %jit3A : i32
    %ne3A_21 = arith.constant 0 : i32
    %ne3A_22 = arith.cmpi ne, %rem3A, %ne3A_21 : i32
    %and3A = arith.andi %ne3A, %ne3A_22 : i1
    %sub3A = arith.constant 1 : i32
    %sub3A_23 = arith.subi %div3A, %sub3A : i32
    %select_n3A = arith.select %and3A, %sub3A_23, %div3A : i32
    %dma_start3A_24 = arith.constant 0 : i32
    %dma_start3A_25 = tpu.memref_slice %arg3[%select_n3A, %dma_start3A_24] : memref<26x16384xi32, #tpu.memory_space<hbm>> -> memref<1x4096xi32, #tpu.memory_space<hbm>>
    %dma_start3A_26 = tpu.memref_squeeze %dma_start3A_25 : memref<1x4096xi32, #tpu.memory_space<hbm>> -> memref<4096xi32, #tpu.memory_space<hbm>>
    %dma_start3A_27 = arith.constant 0 : i32
    %dma_start3A_28 = tpu.memref_slice %arg3[%select_n3A, %dma_start3A_27] : memref<26x16384xi32, #tpu.memory_space<hbm>> -> memref<1x4096xi32, #tpu.memory_space<hbm>>
    %dma_start3A_29 = tpu.memref_squeeze %dma_start3A_28 : memref<1x4096xi32, #tpu.memory_space<hbm>> -> memref<4096xi32, #tpu.memory_space<hbm>>
    tpu.enqueue_dma source(%dma_start3A_29 : memref<4096xi32, #tpu.memory_space<hbm>>) target(%arg6 : memref<4096xi32, #tpu.memory_space<vmem>>) target_semaphore(%arg12 : memref<!tpu.dma_semaphore, #tpu.memory_space<semaphore_mem>>)
    %scan3A = arith.constant 0 : i32
    %scan3A_30 = arith.constant 0 : i32
    %scan3A_31 = arith.constant 26 : i32
    %scan3A_32 = arith.addi %scan3A_30, %scan3A_31 : i32
    %scan3A_33 = arith.constant 1 : i32
    scf.for %scan3A_46 = %scan3A_30 to %scan3A_32 step %scan3A_33  : i32 {
      %add3A_47 = arith.addi %mul3A_2, %scan3A_46 : i32
      %jit3A_48 = arith.constant 32 : i32
      %div3A_49 = arith.divsi %add3A_47, %jit3A_48 : i32
      %sign3A_50 = arith.constant 0 : i32
      %sign3A_51 = arith.cmpi sgt, %add3A_47, %sign3A_50 : i32
      %sign3A_52 = arith.extui %sign3A_51 : i1 to i32
      %sign3A_53 = arith.constant 0 : i32
      %sign3A_54 = arith.cmpi slt, %add3A_47, %sign3A_53 : i32
      %sign3A_55 = arith.extui %sign3A_54 : i1 to i32
      %sign3A_56 = arith.subi %sign3A_52, %sign3A_55 : i32
      %sign3A_57 = arith.constant 0 : i32
      %sign3A_58 = arith.cmpi sgt, %jit3A_48, %sign3A_57 : i32
      %sign3A_59 = arith.extui %sign3A_58 : i1 to i32
      %sign3A_60 = arith.constant 0 : i32
      %sign3A_61 = arith.cmpi slt, %jit3A_48, %sign3A_60 : i32
      %sign3A_62 = arith.extui %sign3A_61 : i1 to i32
      %sign3A_63 = arith.subi %sign3A_59, %sign3A_62 : i32
      %ne3A_64 = arith.cmpi ne, %sign3A_56, %sign3A_63 : i32
      %rem3A_65 = arith.remsi %add3A_47, %jit3A_48 : i32
      %ne3A_66 = arith.constant 0 : i32
      %ne3A_67 = arith.cmpi ne, %rem3A_65, %ne3A_66 : i32
      %and3A_68 = arith.andi %ne3A_64, %ne3A_67 : i1
      %sub3A_69 = arith.constant 1 : i32
      %sub3A_70 = arith.subi %div3A_49, %sub3A_69 : i32
      %select_n3A_71 = arith.select %and3A_68, %sub3A_70, %div3A_49 : i32
      %add3A_72 = arith.constant 1 : i32
      %add3A_73 = arith.addi %add3A_47, %add3A_72 : i32
      %jit3A_74 = arith.constant 32 : i32
      %div3A_75 = arith.divsi %add3A_73, %jit3A_74 : i32
      %sign3A_76 = arith.constant 0 : i32
      %sign3A_77 = arith.cmpi sgt, %add3A_73, %sign3A_76 : i32
      %sign3A_78 = arith.extui %sign3A_77 : i1 to i32
      %sign3A_79 = arith.constant 0 : i32
      %sign3A_80 = arith.cmpi slt, %add3A_73, %sign3A_79 : i32
      %sign3A_81 = arith.extui %sign3A_80 : i1 to i32
      %sign3A_82 = arith.subi %sign3A_78, %sign3A_81 : i32
      %sign3A_83 = arith.constant 0 : i32
      %sign3A_84 = arith.cmpi sgt, %jit3A_74, %sign3A_83 : i32
      %sign3A_85 = arith.extui %sign3A_84 : i1 to i32
      %sign3A_86 = arith.constant 0 : i32
      %sign3A_87 = arith.cmpi slt, %jit3A_74, %sign3A_86 : i32
      %sign3A_88 = arith.extui %sign3A_87 : i1 to i32
      %sign3A_89 = arith.subi %sign3A_85, %sign3A_88 : i32
      %ne3A_90 = arith.cmpi ne, %sign3A_82, %sign3A_89 : i32
      %rem3A_91 = arith.remsi %add3A_73, %jit3A_74 : i32
      %ne3A_92 = arith.constant 0 : i32
      %ne3A_93 = arith.cmpi ne, %rem3A_91, %ne3A_92 : i32
      %and3A_94 = arith.andi %ne3A_90, %ne3A_93 : i1
      %sub3A_95 = arith.constant 1 : i32
      %sub3A_96 = arith.subi %div3A_75, %sub3A_95 : i32
      %select_n3A_97 = arith.select %and3A_94, %sub3A_96, %div3A_75 : i32
      %dma_wait3A_98 = arith.constant 0 : i32
      %dma_wait3A_99 = tpu.memref_slice %arg2[%add3A_47, %dma_wait3A_98] : memref<832x100000xf32, #tpu.memory_space<hbm>> -> memref<1x100000xf32, #tpu.memory_space<hbm>>
      %dma_wait3A_100 = tpu.memref_squeeze %dma_wait3A_99 : memref<1x100000xf32, #tpu.memory_space<hbm>> -> memref<100000xf32, #tpu.memory_space<hbm>>
      %dma_wait3A_101 = arith.constant 0 : i32
      %dma_wait3A_102 = tpu.memref_slice %arg2[%add3A_47, %dma_wait3A_101] : memref<832x100000xf32, #tpu.memory_space<hbm>> -> memref<1x100000xf32, #tpu.memory_space<hbm>>
      %dma_wait3A_103 = tpu.memref_squeeze %dma_wait3A_102 : memref<1x100000xf32, #tpu.memory_space<hbm>> -> memref<100000xf32, #tpu.memory_space<hbm>>
      tpu.wait_dma2 semaphore(%arg10 : memref<!tpu.dma_semaphore, #tpu.memory_space<semaphore_mem>>) src(%dma_wait3A_103 : memref<100000xf32, #tpu.memory_space<hbm>>) dst(%arg5 : memref<100000xf32, #tpu.memory_space<vmem>>)
      %dma_start3A_104 = arith.constant 4096 : i32
      %dma_start3A_105 = tpu.memref_slice %arg3[%select_n3A_71, %dma_start3A_104] : memref<26x16384xi32, #tpu.memory_space<hbm>> -> memref<1x4096xi32, #tpu.memory_space<hbm>>
      %dma_start3A_106 = tpu.memref_squeeze %dma_start3A_105 : memref<1x4096xi32, #tpu.memory_space<hbm>> -> memref<4096xi32, #tpu.memory_space<hbm>>
      %dma_start3A_107 = arith.constant 4096 : i32
      %dma_start3A_108 = tpu.memref_slice %arg3[%select_n3A_71, %dma_start3A_107] : memref<26x16384xi32, #tpu.memory_space<hbm>> -> memref<1x4096xi32, #tpu.memory_space<hbm>>
      %dma_start3A_109 = tpu.memref_squeeze %dma_start3A_108 : memref<1x4096xi32, #tpu.memory_space<hbm>> -> memref<4096xi32, #tpu.memory_space<hbm>>
      tpu.enqueue_dma source(%dma_start3A_109 : memref<4096xi32, #tpu.memory_space<hbm>>) target(%arg7 : memref<4096xi32, #tpu.memory_space<vmem>>) target_semaphore(%arg13 : memref<!tpu.dma_semaphore, #tpu.memory_space<semaphore_mem>>)
      %dma_wait3A_110 = arith.constant 0 : i32
      %dma_wait3A_111 = arith.constant 0 : i32
      %dma_wait3A_112 = tpu.memref_slice %arg3[%dma_wait3A_110, %dma_wait3A_111] : memref<26x16384xi32, #tpu.memory_space<hbm>> -> memref<1x4096xi32, #tpu.memory_space<hbm>>
      %dma_wait3A_113 = tpu.memref_squeeze %dma_wait3A_112 : memref<1x4096xi32, #tpu.memory_space<hbm>> -> memref<4096xi32, #tpu.memory_space<hbm>>
      %dma_wait3A_114 = arith.constant 0 : i32
      %dma_wait3A_115 = tpu.memref_slice %arg3[%dma_wait3A_110, %dma_wait3A_114] : memref<26x16384xi32, #tpu.memory_space<hbm>> -> memref<1x4096xi32, #tpu.memory_space<hbm>>
      %dma_wait3A_116 = tpu.memref_squeeze %dma_wait3A_115 : memref<1x4096xi32, #tpu.memory_space<hbm>> -> memref<4096xi32, #tpu.memory_space<hbm>>
      tpu.wait_dma2 semaphore(%arg12 : memref<!tpu.dma_semaphore, #tpu.memory_space<semaphore_mem>>) src(%dma_wait3A_116 : memref<4096xi32, #tpu.memory_space<hbm>>) dst(%arg6 : memref<4096xi32, #tpu.memory_space<vmem>>)
      %gt3A = arith.constant 0 : i32
      %gt3A_117 = arith.cmpi sgt, %scan3A_46, %gt3A : i32
      %convert_element_type3A = arith.extui %gt3A_117 : i1 to i32
      %cond3A = arith.constant 0 : i32
      %cond3A_118 = arith.cmpi ne, %convert_element_type3A, %cond3A : i32
      scf.if %cond3A_118 {
        %dma_wait3A_226 = arith.constant 0 : i32
        %dma_wait3A_227 = tpu.memref_slice %arg4[%mul3A_2, %dma_wait3A_226] : memref<832x16384xf32, #tpu.memory_space<hbm>> -> memref<1x4096xf32, #tpu.memory_space<hbm>>
        %dma_wait3A_228 = tpu.memref_squeeze %dma_wait3A_227 : memref<1x4096xf32, #tpu.memory_space<hbm>> -> memref<4096xf32, #tpu.memory_space<hbm>>
        %dma_wait3A_229 = arith.constant 0 : i32
        %dma_wait3A_230 = tpu.memref_slice %arg4[%mul3A_2, %dma_wait3A_229] : memref<832x16384xf32, #tpu.memory_space<hbm>> -> memref<1x4096xf32, #tpu.memory_space<hbm>>
        %dma_wait3A_231 = tpu.memref_squeeze %dma_wait3A_230 : memref<1x4096xf32, #tpu.memory_space<hbm>> -> memref<4096xf32, #tpu.memory_space<hbm>>
        tpu.wait_dma2 semaphore(%arg14 : memref<!tpu.dma_semaphore, #tpu.memory_space<semaphore_mem>>) src(%arg8 : memref<4096xf32, #tpu.memory_space<vmem>>) dst(%dma_wait3A_231 : memref<4096xf32, #tpu.memory_space<hbm>>)
      } else {
      }
      %scan3A_119 = arith.constant 0 : i32
      %scan3A_120 = arith.constant 0 : i32
      %scan3A_121 = arith.constant 16 : i32
      %scan3A_122 = arith.addi %scan3A_120, %scan3A_121 : i32
      %scan3A_123 = arith.constant 1 : i32
      scf.for %scan3A_226 = %scan3A_120 to %scan3A_122 step %scan3A_123  : i32 {
        %mul3A_227 = arith.constant 256 : i32
        %mul3A_228 = arith.muli %scan3A_226, %mul3A_227 : i32
        %add3A_229 = arith.constant 0 : i32
        %add3A_230 = arith.addi %mul3A_228, %add3A_229 : i32
        %get3A = arith.index_cast %add3A_230 : i32 to index
        %get3A_231 = tpu.vector_load %arg6[%get3A] {strides = array<i32>} : memref<4096xi32, #tpu.memory_space<vmem>>, vector<16xi32>,
        %add3A_232 = arith.constant 16 : i32
        %add3A_233 = arith.addi %mul3A_228, %add3A_232 : i32
        %get3A_234 = arith.index_cast %add3A_233 : i32 to index
        %get3A_235 = tpu.vector_load %arg6[%get3A_234] {strides = array<i32>} : memref<4096xi32, #tpu.memory_space<vmem>>, vector<16xi32>,
        %add3A_236 = arith.constant 32 : i32
        %add3A_237 = arith.addi %mul3A_228, %add3A_236 : i32
        %get3A_238 = arith.index_cast %add3A_237 : i32 to index
        %get3A_239 = tpu.vector_load %arg6[%get3A_238] {strides = array<i32>} : memref<4096xi32, #tpu.memory_space<vmem>>, vector<16xi32>,
        %add3A_240 = arith.constant 48 : i32
        %add3A_241 = arith.addi %mul3A_228, %add3A_240 : i32
        %get3A_242 = arith.index_cast %add3A_241 : i32 to index
        %get3A_243 = tpu.vector_load %arg6[%get3A_242] {strides = array<i32>} : memref<4096xi32, #tpu.memory_space<vmem>>, vector<16xi32>,
        %add3A_244 = arith.constant 64 : i32
        %add3A_245 = arith.addi %mul3A_228, %add3A_244 : i32
        %get3A_246 = arith.index_cast %add3A_245 : i32 to index
        %get3A_247 = tpu.vector_load %arg6[%get3A_246] {strides = array<i32>} : memref<4096xi32, #tpu.memory_space<vmem>>, vector<16xi32>,
        %add3A_248 = arith.constant 80 : i32
        %add3A_249 = arith.addi %mul3A_228, %add3A_248 : i32
        %get3A_250 = arith.index_cast %add3A_249 : i32 to index
        %get3A_251 = tpu.vector_load %arg6[%get3A_250] {strides = array<i32>} : memref<4096xi32, #tpu.memory_space<vmem>>, vector<16xi32>,
        %add3A_252 = arith.constant 96 : i32
        %add3A_253 = arith.addi %mul3A_228, %add3A_252 : i32
        %get3A_254 = arith.index_cast %add3A_253 : i32 to index
        %get3A_255 = tpu.vector_load %arg6[%get3A_254] {strides = array<i32>} : memref<4096xi32, #tpu.memory_space<vmem>>, vector<16xi32>,
        %add3A_256 = arith.constant 112 : i32
        %add3A_257 = arith.addi %mul3A_228, %add3A_256 : i32
        %get3A_258 = arith.index_cast %add3A_257 : i32 to index
        %get3A_259 = tpu.vector_load %arg6[%get3A_258] {strides = array<i32>} : memref<4096xi32, #tpu.memory_space<vmem>>, vector<16xi32>,
        %add3A_260 = arith.constant 128 : i32
        %add3A_261 = arith.addi %mul3A_228, %add3A_260 : i32
        %get3A_262 = arith.index_cast %add3A_261 : i32 to index
        %get3A_263 = tpu.vector_load %arg6[%get3A_262] {strides = array<i32>} : memref<4096xi32, #tpu.memory_space<vmem>>, vector<16xi32>,
        %add3A_264 = arith.constant 144 : i32
        %add3A_265 = arith.addi %mul3A_228, %add3A_264 : i32
        %get3A_266 = arith.index_cast %add3A_265 : i32 to index
        %get3A_267 = tpu.vector_load %arg6[%get3A_266] {strides = array<i32>} : memref<4096xi32, #tpu.memory_space<vmem>>, vector<16xi32>,
        %add3A_268 = arith.constant 160 : i32
        %add3A_269 = arith.addi %mul3A_228, %add3A_268 : i32
        %get3A_270 = arith.index_cast %add3A_269 : i32 to index
        %get3A_271 = tpu.vector_load %arg6[%get3A_270] {strides = array<i32>} : memref<4096xi32, #tpu.memory_space<vmem>>, vector<16xi32>,
        %add3A_272 = arith.constant 176 : i32
        %add3A_273 = arith.addi %mul3A_228, %add3A_272 : i32
        %get3A_274 = arith.index_cast %add3A_273 : i32 to index
        %get3A_275 = tpu.vector_load %arg6[%get3A_274] {strides = array<i32>} : memref<4096xi32, #tpu.memory_space<vmem>>, vector<16xi32>,
        %add3A_276 = arith.constant 192 : i32
        %add3A_277 = arith.addi %mul3A_228, %add3A_276 : i32
        %get3A_278 = arith.index_cast %add3A_277 : i32 to index
        %get3A_279 = tpu.vector_load %arg6[%get3A_278] {strides = array<i32>} : memref<4096xi32, #tpu.memory_space<vmem>>, vector<16xi32>,
        %add3A_280 = arith.constant 208 : i32
        %add3A_281 = arith.addi %mul3A_228, %add3A_280 : i32
        %get3A_282 = arith.index_cast %add3A_281 : i32 to index
        %get3A_283 = tpu.vector_load %arg6[%get3A_282] {strides = array<i32>} : memref<4096xi32, #tpu.memory_space<vmem>>, vector<16xi32>,
        %add3A_284 = arith.constant 224 : i32
        %add3A_285 = arith.addi %mul3A_228, %add3A_284 : i32
        %get3A_286 = arith.index_cast %add3A_285 : i32 to index
        %get3A_287 = tpu.vector_load %arg6[%get3A_286] {strides = array<i32>} : memref<4096xi32, #tpu.memory_space<vmem>>, vector<16xi32>,
        %add3A_288 = arith.constant 240 : i32
        %add3A_289 = arith.addi %mul3A_228, %add3A_288 : i32
        %get3A_290 = arith.index_cast %add3A_289 : i32 to index
        %get3A_291 = tpu.vector_load %arg6[%get3A_290] {strides = array<i32>} : memref<4096xi32, #tpu.memory_space<vmem>>, vector<16xi32>,
        %gather3A = tpu.vector_load_idx %arg5[%get3A_231] : memref<100000xf32, #tpu.memory_space<vmem>>[vector<16xi32>], vector<16xf32>,
        %gather3A_292 = tpu.vector_load_idx %arg5[%get3A_235] : memref<100000xf32, #tpu.memory_space<vmem>>[vector<16xi32>], vector<16xf32>,
        %gather3A_293 = tpu.vector_load_idx %arg5[%get3A_239] : memref<100000xf32, #tpu.memory_space<vmem>>[vector<16xi32>], vector<16xf32>,
        %gather3A_294 = tpu.vector_load_idx %arg5[%get3A_243] : memref<100000xf32, #tpu.memory_space<vmem>>[vector<16xi32>], vector<16xf32>,
        %gather3A_295 = tpu.vector_load_idx %arg5[%get3A_247] : memref<100000xf32, #tpu.memory_space<vmem>>[vector<16xi32>], vector<16xf32>,
        %gather3A_296 = tpu.vector_load_idx %arg5[%get3A_251] : memref<100000xf32, #tpu.memory_space<vmem>>[vector<16xi32>], vector<16xf32>,
        %gather3A_297 = tpu.vector_load_idx %arg5[%get3A_255] : memref<100000xf32, #tpu.memory_space<vmem>>[vector<16xi32>], vector<16xf32>,
        %gather3A_298 = tpu.vector_load_idx %arg5[%get3A_259] : memref<100000xf32, #tpu.memory_space<vmem>>[vector<16xi32>], vector<16xf32>,
        %gather3A_299 = tpu.vector_load_idx %arg5[%get3A_263] : memref<100000xf32, #tpu.memory_space<vmem>>[vector<16xi32>], vector<16xf32>,
        %gather3A_300 = tpu.vector_load_idx %arg5[%get3A_267] : memref<100000xf32, #tpu.memory_space<vmem>>[vector<16xi32>], vector<16xf32>,
        %gather3A_301 = tpu.vector_load_idx %arg5[%get3A_271] : memref<100000xf32, #tpu.memory_space<vmem>>[vector<16xi32>], vector<16xf32>,
        %gather3A_302 = tpu.vector_load_idx %arg5[%get3A_275] : memref<100000xf32, #tpu.memory_space<vmem>>[vector<16xi32>], vector<16xf32>,
        %gather3A_303 = tpu.vector_load_idx %arg5[%get3A_279] : memref<100000xf32, #tpu.memory_space<vmem>>[vector<16xi32>], vector<16xf32>,
        %gather3A_304 = tpu.vector_load_idx %arg5[%get3A_283] : memref<100000xf32, #tpu.memory_space<vmem>>[vector<16xi32>], vector<16xf32>,
        %gather3A_305 = tpu.vector_load_idx %arg5[%get3A_287] : memref<100000xf32, #tpu.memory_space<vmem>>[vector<16xi32>], vector<16xf32>,
        %gather3A_306 = tpu.vector_load_idx %arg5[%get3A_291] : memref<100000xf32, #tpu.memory_space<vmem>>[vector<16xi32>], vector<16xf32>,
        %add3A_307 = arith.constant 0 : i32
        %add3A_308 = arith.addi %mul3A_228, %add3A_307 : i32
        %swap3A = arith.index_cast %add3A_308 : i32 to index
        %swap3A_309 = tpu.vector_load %arg8[%swap3A] {strides = array<i32>} : memref<4096xf32, #tpu.memory_space<vmem>>, vector<16xf32>,
        tpu.vector_store %arg8[%swap3A], %gather3A {strides = array<i32>} : memref<4096xf32, #tpu.memory_space<vmem>>, vector<16xf32>,
        %add3A_310 = arith.constant 16 : i32
        %add3A_311 = arith.addi %mul3A_228, %add3A_310 : i32
        %swap3A_312 = arith.index_cast %add3A_311 : i32 to index
        %swap3A_313 = tpu.vector_load %arg8[%swap3A_312] {strides = array<i32>} : memref<4096xf32, #tpu.memory_space<vmem>>, vector<16xf32>,
        tpu.vector_store %arg8[%swap3A_312], %gather3A_292 {strides = array<i32>} : memref<4096xf32, #tpu.memory_space<vmem>>, vector<16xf32>,
        %add3A_314 = arith.constant 32 : i32
        %add3A_315 = arith.addi %mul3A_228, %add3A_314 : i32
        %swap3A_316 = arith.index_cast %add3A_315 : i32 to index
        %swap3A_317 = tpu.vector_load %arg8[%swap3A_316] {strides = array<i32>} : memref<4096xf32, #tpu.memory_space<vmem>>, vector<16xf32>,
        tpu.vector_store %arg8[%swap3A_316], %gather3A_293 {strides = array<i32>} : memref<4096xf32, #tpu.memory_space<vmem>>, vector<16xf32>,
        %add3A_318 = arith.constant 48 : i32
        %add3A_319 = arith.addi %mul3A_228, %add3A_318 : i32
        %swap3A_320 = arith.index_cast %add3A_319 : i32 to index
        %swap3A_321 = tpu.vector_load %arg8[%swap3A_320] {strides = array<i32>} : memref<4096xf32, #tpu.memory_space<vmem>>, vector<16xf32>,
        tpu.vector_store %arg8[%swap3A_320], %gather3A_294 {strides = array<i32>} : memref<4096xf32, #tpu.memory_space<vmem>>, vector<16xf32>,
        %add3A_322 = arith.constant 64 : i32
        %add3A_323 = arith.addi %mul3A_228, %add3A_322 : i32
        %swap3A_324 = arith.index_cast %add3A_323 : i32 to index
        %swap3A_325 = tpu.vector_load %arg8[%swap3A_324] {strides = array<i32>} : memref<4096xf32, #tpu.memory_space<vmem>>, vector<16xf32>,
        tpu.vector_store %arg8[%swap3A_324], %gather3A_295 {strides = array<i32>} : memref<4096xf32, #tpu.memory_space<vmem>>, vector<16xf32>,
        %add3A_326 = arith.constant 80 : i32
        %add3A_327 = arith.addi %mul3A_228, %add3A_326 : i32
        %swap3A_328 = arith.index_cast %add3A_327 : i32 to index
        %swap3A_329 = tpu.vector_load %arg8[%swap3A_328] {strides = array<i32>} : memref<4096xf32, #tpu.memory_space<vmem>>, vector<16xf32>,
        tpu.vector_store %arg8[%swap3A_328], %gather3A_296 {strides = array<i32>} : memref<4096xf32, #tpu.memory_space<vmem>>, vector<16xf32>,
        %add3A_330 = arith.constant 96 : i32
        %add3A_331 = arith.addi %mul3A_228, %add3A_330 : i32
        %swap3A_332 = arith.index_cast %add3A_331 : i32 to index
        %swap3A_333 = tpu.vector_load %arg8[%swap3A_332] {strides = array<i32>} : memref<4096xf32, #tpu.memory_space<vmem>>, vector<16xf32>,
        tpu.vector_store %arg8[%swap3A_332], %gather3A_297 {strides = array<i32>} : memref<4096xf32, #tpu.memory_space<vmem>>, vector<16xf32>,
        %add3A_334 = arith.constant 112 : i32
        %add3A_335 = arith.addi %mul3A_228, %add3A_334 : i32
        %swap3A_336 = arith.index_cast %add3A_335 : i32 to index
        %swap3A_337 = tpu.vector_load %arg8[%swap3A_336] {strides = array<i32>} : memref<4096xf32, #tpu.memory_space<vmem>>, vector<16xf32>,
        tpu.vector_store %arg8[%swap3A_336], %gather3A_298 {strides = array<i32>} : memref<4096xf32, #tpu.memory_space<vmem>>, vector<16xf32>,
        %add3A_338 = arith.constant 128 : i32
        %add3A_339 = arith.addi %mul3A_228, %add3A_338 : i32
        %swap3A_340 = arith.index_cast %add3A_339 : i32 to index
        %swap3A_341 = tpu.vector_load %arg8[%swap3A_340] {strides = array<i32>} : memref<4096xf32, #tpu.memory_space<vmem>>, vector<16xf32>,
        tpu.vector_store %arg8[%swap3A_340], %gather3A_299 {strides = array<i32>} : memref<4096xf32, #tpu.memory_space<vmem>>, vector<16xf32>,
        %add3A_342 = arith.constant 144 : i32
        %add3A_343 = arith.addi %mul3A_228, %add3A_342 : i32
        %swap3A_344 = arith.index_cast %add3A_343 : i32 to index
        %swap3A_345 = tpu.vector_load %arg8[%swap3A_344] {strides = array<i32>} : memref<4096xf32, #tpu.memory_space<vmem>>, vector<16xf32>,
        tpu.vector_store %arg8[%swap3A_344], %gather3A_300 {strides = array<i32>} : memref<4096xf32, #tpu.memory_space<vmem>>, vector<16xf32>,
        %add3A_346 = arith.constant 160 : i32
        %add3A_347 = arith.addi %mul3A_228, %add3A_346 : i32
        %swap3A_348 = arith.index_cast %add3A_347 : i32 to index
        %swap3A_349 = tpu.vector_load %arg8[%swap3A_348] {strides = array<i32>} : memref<4096xf32, #tpu.memory_space<vmem>>, vector<16xf32>,
        tpu.vector_store %arg8[%swap3A_348], %gather3A_301 {strides = array<i32>} : memref<4096xf32, #tpu.memory_space<vmem>>, vector<16xf32>,
        %add3A_350 = arith.constant 176 : i32
        %add3A_351 = arith.addi %mul3A_228, %add3A_350 : i32
        %swap3A_352 = arith.index_cast %add3A_351 : i32 to index
        %swap3A_353 = tpu.vector_load %arg8[%swap3A_352] {strides = array<i32>} : memref<4096xf32, #tpu.memory_space<vmem>>, vector<16xf32>,
        tpu.vector_store %arg8[%swap3A_352], %gather3A_302 {strides = array<i32>} : memref<4096xf32, #tpu.memory_space<vmem>>, vector<16xf32>,
        %add3A_354 = arith.constant 192 : i32
        %add3A_355 = arith.addi %mul3A_228, %add3A_354 : i32
        %swap3A_356 = arith.index_cast %add3A_355 : i32 to index
        %swap3A_357 = tpu.vector_load %arg8[%swap3A_356] {strides = array<i32>} : memref<4096xf32, #tpu.memory_space<vmem>>, vector<16xf32>,
        tpu.vector_store %arg8[%swap3A_356], %gather3A_303 {strides = array<i32>} : memref<4096xf32, #tpu.memory_space<vmem>>, vector<16xf32>,
        %add3A_358 = arith.constant 208 : i32
        %add3A_359 = arith.addi %mul3A_228, %add3A_358 : i32
        %swap3A_360 = arith.index_cast %add3A_359 : i32 to index
        %swap3A_361 = tpu.vector_load %arg8[%swap3A_360] {strides = array<i32>} : memref<4096xf32, #tpu.memory_space<vmem>>, vector<16xf32>,
        tpu.vector_store %arg8[%swap3A_360], %gather3A_304 {strides = array<i32>} : memref<4096xf32, #tpu.memory_space<vmem>>, vector<16xf32>,
        %add3A_362 = arith.constant 224 : i32
        %add3A_363 = arith.addi %mul3A_228, %add3A_362 : i32
        %swap3A_364 = arith.index_cast %add3A_363 : i32 to index
        %swap3A_365 = tpu.vector_load %arg8[%swap3A_364] {strides = array<i32>} : memref<4096xf32, #tpu.memory_space<vmem>>, vector<16xf32>,
        tpu.vector_store %arg8[%swap3A_364], %gather3A_305 {strides = array<i32>} : memref<4096xf32, #tpu.memory_space<vmem>>, vector<16xf32>,
        %add3A_366 = arith.constant 240 : i32
        %add3A_367 = arith.addi %mul3A_228, %add3A_366 : i32
        %swap3A_368 = arith.index_cast %add3A_367 : i32 to index
        %swap3A_369 = tpu.vector_load %arg8[%swap3A_368] {strides = array<i32>} : memref<4096xf32, #tpu.memory_space<vmem>>, vector<16xf32>,
        tpu.vector_store %arg8[%swap3A_368], %gather3A_306 {strides = array<i32>} : memref<4096xf32, #tpu.memory_space<vmem>>, vector<16xf32>,
      }
      %scan3A_124 = arith.constant 16 : i32
      %dma_start3A_125 = arith.constant 0 : i32
      %dma_start3A_126 = tpu.memref_slice %arg4[%add3A_47, %dma_start3A_125] : memref<832x16384xf32, #tpu.memory_space<hbm>> -> memref<1x4096xf32, #tpu.memory_space<hbm>>
      %dma_start3A_127 = tpu.memref_squeeze %dma_start3A_126 : memref<1x4096xf32, #tpu.memory_space<hbm>> -> memref<4096xf32, #tpu.memory_space<hbm>>
      %dma_start3A_128 = arith.constant 0 : i32
      %dma_start3A_129 = tpu.memref_slice %arg4[%add3A_47, %dma_start3A_128] : memref<832x16384xf32, #tpu.memory_space<hbm>> -> memref<1x4096xf32, #tpu.memory_space<hbm>>
      %dma_start3A_130 = tpu.memref_squeeze %dma_start3A_129 : memref<1x4096xf32, #tpu.memory_space<hbm>> -> memref<4096xf32, #tpu.memory_space<hbm>>
      tpu.enqueue_dma source(%arg8 : memref<4096xf32, #tpu.memory_space<vmem>>) target(%dma_start3A_130 : memref<4096xf32, #tpu.memory_space<hbm>>) target_semaphore(%arg14 : memref<!tpu.dma_semaphore, #tpu.memory_space<semaphore_mem>>)
      %dma_start3A_131 = arith.constant 8192 : i32
      %dma_start3A_132 = tpu.memref_slice %arg3[%select_n3A_71, %dma_start3A_131] : memref<26x16384xi32, #tpu.memory_space<hbm>> -> memref<1x4096xi32, #tpu.memory_space<hbm>>
      %dma_start3A_133 = tpu.memref_squeeze %dma_start3A_132 : memref<1x4096xi32, #tpu.memory_space<hbm>> -> memref<4096xi32, #tpu.memory_space<hbm>>
      %dma_start3A_134 = arith.constant 8192 : i32
      %dma_start3A_135 = tpu.memref_slice %arg3[%select_n3A_71, %dma_start3A_134] : memref<26x16384xi32, #tpu.memory_space<hbm>> -> memref<1x4096xi32, #tpu.memory_space<hbm>>
      %dma_start3A_136 = tpu.memref_squeeze %dma_start3A_135 : memref<1x4096xi32, #tpu.memory_space<hbm>> -> memref<4096xi32, #tpu.memory_space<hbm>>
      tpu.enqueue_dma source(%dma_start3A_136 : memref<4096xi32, #tpu.memory_space<hbm>>) target(%arg6 : memref<4096xi32, #tpu.memory_space<vmem>>) target_semaphore(%arg12 : memref<!tpu.dma_semaphore, #tpu.memory_space<semaphore_mem>>)
      %dma_wait3A_137 = arith.constant 0 : i32
      %dma_wait3A_138 = arith.constant 0 : i32
      %dma_wait3A_139 = tpu.memref_slice %arg3[%dma_wait3A_137, %dma_wait3A_138] : memref<26x16384xi32, #tpu.memory_space<hbm>> -> memref<1x4096xi32, #tpu.memory_space<hbm>>
      %dma_wait3A_140 = tpu.memref_squeeze %dma_wait3A_139 : memref<1x4096xi32, #tpu.memory_space<hbm>> -> memref<4096xi32, #tpu.memory_space<hbm>>
      %dma_wait3A_141 = arith.constant 0 : i32
      %dma_wait3A_142 = tpu.memref_slice %arg3[%dma_wait3A_137, %dma_wait3A_141] : memref<26x16384xi32, #tpu.memory_space<hbm>> -> memref<1x4096xi32, #tpu.memory_space<hbm>>
      %dma_wait3A_143 = tpu.memref_squeeze %dma_wait3A_142 : memref<1x4096xi32, #tpu.memory_space<hbm>> -> memref<4096xi32, #tpu.memory_space<hbm>>
      tpu.wait_dma2 semaphore(%arg13 : memref<!tpu.dma_semaphore, #tpu.memory_space<semaphore_mem>>) src(%dma_wait3A_143 : memref<4096xi32, #tpu.memory_space<hbm>>) dst(%arg7 : memref<4096xi32, #tpu.memory_space<vmem>>)
      %gt3A_144 = arith.constant 0 : i32
      %gt3A_145 = arith.cmpi sgt, %scan3A_46, %gt3A_144 : i32
      %convert_element_type3A_146 = arith.extui %gt3A_145 : i1 to i32
      %cond3A_147 = arith.constant 0 : i32
      %cond3A_148 = arith.cmpi ne, %convert_element_type3A_146, %cond3A_147 : i32
      scf.if %cond3A_148 {
        %dma_wait3A_226 = arith.constant 0 : i32
        %dma_wait3A_227 = tpu.memref_slice %arg4[%mul3A_2, %dma_wait3A_226] : memref<832x16384xf32, #tpu.memory_space<hbm>> -> memref<1x4096xf32, #tpu.memory_space<hbm>>
        %dma_wait3A_228 = tpu.memref_squeeze %dma_wait3A_227 : memref<1x4096xf32, #tpu.memory_space<hbm>> -> memref<4096xf32, #tpu.memory_space<hbm>>
        %dma_wait3A_229 = arith.constant 0 : i32
        %dma_wait3A_230 = tpu.memref_slice %arg4[%mul3A_2, %dma_wait3A_229] : memref<832x16384xf32, #tpu.memory_space<hbm>> -> memref<1x4096xf32, #tpu.memory_space<hbm>>
        %dma_wait3A_231 = tpu.memref_squeeze %dma_wait3A_230 : memref<1x4096xf32, #tpu.memory_space<hbm>> -> memref<4096xf32, #tpu.memory_space<hbm>>
        tpu.wait_dma2 semaphore(%arg14 : memref<!tpu.dma_semaphore, #tpu.memory_space<semaphore_mem>>) src(%arg9 : memref<4096xf32, #tpu.memory_space<vmem>>) dst(%dma_wait3A_231 : memref<4096xf32, #tpu.memory_space<hbm>>)
      } else {
      }
      %scan3A_149 = arith.constant 0 : i32
      %scan3A_150 = arith.constant 0 : i32
      %scan3A_151 = arith.constant 16 : i32
      %scan3A_152 = arith.addi %scan3A_150, %scan3A_151 : i32
      %scan3A_153 = arith.constant 1 : i32
      scf.for %scan3A_226 = %scan3A_150 to %scan3A_152 step %scan3A_153  : i32 {
        %mul3A_227 = arith.constant 256 : i32
        %mul3A_228 = arith.muli %scan3A_226, %mul3A_227 : i32
        %add3A_229 = arith.constant 0 : i32
        %add3A_230 = arith.addi %mul3A_228, %add3A_229 : i32
        %get3A = arith.index_cast %add3A_230 : i32 to index
        %get3A_231 = tpu.vector_load %arg7[%get3A] {strides = array<i32>} : memref<4096xi32, #tpu.memory_space<vmem>>, vector<16xi32>,
        %add3A_232 = arith.constant 16 : i32
        %add3A_233 = arith.addi %mul3A_228, %add3A_232 : i32
        %get3A_234 = arith.index_cast %add3A_233 : i32 to index
        %get3A_235 = tpu.vector_load %arg7[%get3A_234] {strides = array<i32>} : memref<4096xi32, #tpu.memory_space<vmem>>, vector<16xi32>,
        %add3A_236 = arith.constant 32 : i32
        %add3A_237 = arith.addi %mul3A_228, %add3A_236 : i32
        %get3A_238 = arith.index_cast %add3A_237 : i32 to index
        %get3A_239 = tpu.vector_load %arg7[%get3A_238] {strides = array<i32>} : memref<4096xi32, #tpu.memory_space<vmem>>, vector<16xi32>,
        %add3A_240 = arith.constant 48 : i32
        %add3A_241 = arith.addi %mul3A_228, %add3A_240 : i32
        %get3A_242 = arith.index_cast %add3A_241 : i32 to index
        %get3A_243 = tpu.vector_load %arg7[%get3A_242] {strides = array<i32>} : memref<4096xi32, #tpu.memory_space<vmem>>, vector<16xi32>,
        %add3A_244 = arith.constant 64 : i32
        %add3A_245 = arith.addi %mul3A_228, %add3A_244 : i32
        %get3A_246 = arith.index_cast %add3A_245 : i32 to index
        %get3A_247 = tpu.vector_load %arg7[%get3A_246] {strides = array<i32>} : memref<4096xi32, #tpu.memory_space<vmem>>, vector<16xi32>,
        %add3A_248 = arith.constant 80 : i32
        %add3A_249 = arith.addi %mul3A_228, %add3A_248 : i32
        %get3A_250 = arith.index_cast %add3A_249 : i32 to index
        %get3A_251 = tpu.vector_load %arg7[%get3A_250] {strides = array<i32>} : memref<4096xi32, #tpu.memory_space<vmem>>, vector<16xi32>,
        %add3A_252 = arith.constant 96 : i32
        %add3A_253 = arith.addi %mul3A_228, %add3A_252 : i32
        %get3A_254 = arith.index_cast %add3A_253 : i32 to index
        %get3A_255 = tpu.vector_load %arg7[%get3A_254] {strides = array<i32>} : memref<4096xi32, #tpu.memory_space<vmem>>, vector<16xi32>,
        %add3A_256 = arith.constant 112 : i32
        %add3A_257 = arith.addi %mul3A_228, %add3A_256 : i32
        %get3A_258 = arith.index_cast %add3A_257 : i32 to index
        %get3A_259 = tpu.vector_load %arg7[%get3A_258] {strides = array<i32>} : memref<4096xi32, #tpu.memory_space<vmem>>, vector<16xi32>,
        %add3A_260 = arith.constant 128 : i32
        %add3A_261 = arith.addi %mul3A_228, %add3A_260 : i32
        %get3A_262 = arith.index_cast %add3A_261 : i32 to index
        %get3A_263 = tpu.vector_load %arg7[%get3A_262] {strides = array<i32>} : memref<4096xi32, #tpu.memory_space<vmem>>, vector<16xi32>,
        %add3A_264 = arith.constant 144 : i32
        %add3A_265 = arith.addi %mul3A_228, %add3A_264 : i32
        %get3A_266 = arith.index_cast %add3A_265 : i32 to index
        %get3A_267 = tpu.vector_load %arg7[%get3A_266] {strides = array<i32>} : memref<4096xi32, #tpu.memory_space<vmem>>, vector<16xi32>,
        %add3A_268 = arith.constant 160 : i32
        %add3A_269 = arith.addi %mul3A_228, %add3A_268 : i32
        %get3A_270 = arith.index_cast %add3A_269 : i32 to index
        %get3A_271 = tpu.vector_load %arg7[%get3A_270] {strides = array<i32>} : memref<4096xi32, #tpu.memory_space<vmem>>, vector<16xi32>,
        %add3A_272 = arith.constant 176 : i32
        %add3A_273 = arith.addi %mul3A_228, %add3A_272 : i32
        %get3A_274 = arith.index_cast %add3A_273 : i32 to index
        %get3A_275 = tpu.vector_load %arg7[%get3A_274] {strides = array<i32>} : memref<4096xi32, #tpu.memory_space<vmem>>, vector<16xi32>,
        %add3A_276 = arith.constant 192 : i32
        %add3A_277 = arith.addi %mul3A_228, %add3A_276 : i32
        %get3A_278 = arith.index_cast %add3A_277 : i32 to index
        %get3A_279 = tpu.vector_load %arg7[%get3A_278] {strides = array<i32>} : memref<4096xi32, #tpu.memory_space<vmem>>, vector<16xi32>,
        %add3A_280 = arith.constant 208 : i32
        %add3A_281 = arith.addi %mul3A_228, %add3A_280 : i32
        %get3A_282 = arith.index_cast %add3A_281 : i32 to index
        %get3A_283 = tpu.vector_load %arg7[%get3A_282] {strides = array<i32>} : memref<4096xi32, #tpu.memory_space<vmem>>, vector<16xi32>,
        %add3A_284 = arith.constant 224 : i32
        %add3A_285 = arith.addi %mul3A_228, %add3A_284 : i32
        %get3A_286 = arith.index_cast %add3A_285 : i32 to index
        %get3A_287 = tpu.vector_load %arg7[%get3A_286] {strides = array<i32>} : memref<4096xi32, #tpu.memory_space<vmem>>, vector<16xi32>,
        %add3A_288 = arith.constant 240 : i32
        %add3A_289 = arith.addi %mul3A_228, %add3A_288 : i32
        %get3A_290 = arith.index_cast %add3A_289 : i32 to index
        %get3A_291 = tpu.vector_load %arg7[%get3A_290] {strides = array<i32>} : memref<4096xi32, #tpu.memory_space<vmem>>, vector<16xi32>,
        %gather3A = tpu.vector_load_idx %arg5[%get3A_231] : memref<100000xf32, #tpu.memory_space<vmem>>[vector<16xi32>], vector<16xf32>,
        %gather3A_292 = tpu.vector_load_idx %arg5[%get3A_235] : memref<100000xf32, #tpu.memory_space<vmem>>[vector<16xi32>], vector<16xf32>,
        %gather3A_293 = tpu.vector_load_idx %arg5[%get3A_239] : memref<100000xf32, #tpu.memory_space<vmem>>[vector<16xi32>], vector<16xf32>,
        %gather3A_294 = tpu.vector_load_idx %arg5[%get3A_243] : memref<100000xf32, #tpu.memory_space<vmem>>[vector<16xi32>], vector<16xf32>,
        %gather3A_295 = tpu.vector_load_idx %arg5[%get3A_247] : memref<100000xf32, #tpu.memory_space<vmem>>[vector<16xi32>], vector<16xf32>,
        %gather3A_296 = tpu.vector_load_idx %arg5[%get3A_251] : memref<100000xf32, #tpu.memory_space<vmem>>[vector<16xi32>], vector<16xf32>,
        %gather3A_297 = tpu.vector_load_idx %arg5[%get3A_255] : memref<100000xf32, #tpu.memory_space<vmem>>[vector<16xi32>], vector<16xf32>,
        %gather3A_298 = tpu.vector_load_idx %arg5[%get3A_259] : memref<100000xf32, #tpu.memory_space<vmem>>[vector<16xi32>], vector<16xf32>,
        %gather3A_299 = tpu.vector_load_idx %arg5[%get3A_263] : memref<100000xf32, #tpu.memory_space<vmem>>[vector<16xi32>], vector<16xf32>,
        %gather3A_300 = tpu.vector_load_idx %arg5[%get3A_267] : memref<100000xf32, #tpu.memory_space<vmem>>[vector<16xi32>], vector<16xf32>,
        %gather3A_301 = tpu.vector_load_idx %arg5[%get3A_271] : memref<100000xf32, #tpu.memory_space<vmem>>[vector<16xi32>], vector<16xf32>,
        %gather3A_302 = tpu.vector_load_idx %arg5[%get3A_275] : memref<100000xf32, #tpu.memory_space<vmem>>[vector<16xi32>], vector<16xf32>,
        %gather3A_303 = tpu.vector_load_idx %arg5[%get3A_279] : memref<100000xf32, #tpu.memory_space<vmem>>[vector<16xi32>], vector<16xf32>,
        %gather3A_304 = tpu.vector_load_idx %arg5[%get3A_283] : memref<100000xf32, #tpu.memory_space<vmem>>[vector<16xi32>], vector<16xf32>,
        %gather3A_305 = tpu.vector_load_idx %arg5[%get3A_287] : memref<100000xf32, #tpu.memory_space<vmem>>[vector<16xi32>], vector<16xf32>,
        %gather3A_306 = tpu.vector_load_idx %arg5[%get3A_291] : memref<100000xf32, #tpu.memory_space<vmem>>[vector<16xi32>], vector<16xf32>,
        %add3A_307 = arith.constant 0 : i32
        %add3A_308 = arith.addi %mul3A_228, %add3A_307 : i32
        %swap3A = arith.index_cast %add3A_308 : i32 to index
        %swap3A_309 = tpu.vector_load %arg9[%swap3A] {strides = array<i32>} : memref<4096xf32, #tpu.memory_space<vmem>>, vector<16xf32>,
        tpu.vector_store %arg9[%swap3A], %gather3A {strides = array<i32>} : memref<4096xf32, #tpu.memory_space<vmem>>, vector<16xf32>,
        %add3A_310 = arith.constant 16 : i32
        %add3A_311 = arith.addi %mul3A_228, %add3A_310 : i32
        %swap3A_312 = arith.index_cast %add3A_311 : i32 to index
        %swap3A_313 = tpu.vector_load %arg9[%swap3A_312] {strides = array<i32>} : memref<4096xf32, #tpu.memory_space<vmem>>, vector<16xf32>,
        tpu.vector_store %arg9[%swap3A_312], %gather3A_292 {strides = array<i32>} : memref<4096xf32, #tpu.memory_space<vmem>>, vector<16xf32>,
        %add3A_314 = arith.constant 32 : i32
        %add3A_315 = arith.addi %mul3A_228, %add3A_314 : i32
        %swap3A_316 = arith.index_cast %add3A_315 : i32 to index
        %swap3A_317 = tpu.vector_load %arg9[%swap3A_316] {strides = array<i32>} : memref<4096xf32, #tpu.memory_space<vmem>>, vector<16xf32>,
        tpu.vector_store %arg9[%swap3A_316], %gather3A_293 {strides = array<i32>} : memref<4096xf32, #tpu.memory_space<vmem>>, vector<16xf32>,
        %add3A_318 = arith.constant 48 : i32
        %add3A_319 = arith.addi %mul3A_228, %add3A_318 : i32
        %swap3A_320 = arith.index_cast %add3A_319 : i32 to index
        %swap3A_321 = tpu.vector_load %arg9[%swap3A_320] {strides = array<i32>} : memref<4096xf32, #tpu.memory_space<vmem>>, vector<16xf32>,
        tpu.vector_store %arg9[%swap3A_320], %gather3A_294 {strides = array<i32>} : memref<4096xf32, #tpu.memory_space<vmem>>, vector<16xf32>,
        %add3A_322 = arith.constant 64 : i32
        %add3A_323 = arith.addi %mul3A_228, %add3A_322 : i32
        %swap3A_324 = arith.index_cast %add3A_323 : i32 to index
        %swap3A_325 = tpu.vector_load %arg9[%swap3A_324] {strides = array<i32>} : memref<4096xf32, #tpu.memory_space<vmem>>, vector<16xf32>,
        tpu.vector_store %arg9[%swap3A_324], %gather3A_295 {strides = array<i32>} : memref<4096xf32, #tpu.memory_space<vmem>>, vector<16xf32>,
        %add3A_326 = arith.constant 80 : i32
        %add3A_327 = arith.addi %mul3A_228, %add3A_326 : i32
        %swap3A_328 = arith.index_cast %add3A_327 : i32 to index
        %swap3A_329 = tpu.vector_load %arg9[%swap3A_328] {strides = array<i32>} : memref<4096xf32, #tpu.memory_space<vmem>>, vector<16xf32>,
        tpu.vector_store %arg9[%swap3A_328], %gather3A_296 {strides = array<i32>} : memref<4096xf32, #tpu.memory_space<vmem>>, vector<16xf32>,
        %add3A_330 = arith.constant 96 : i32
        %add3A_331 = arith.addi %mul3A_228, %add3A_330 : i32
        %swap3A_332 = arith.index_cast %add3A_331 : i32 to index
        %swap3A_333 = tpu.vector_load %arg9[%swap3A_332] {strides = array<i32>} : memref<4096xf32, #tpu.memory_space<vmem>>, vector<16xf32>,
        tpu.vector_store %arg9[%swap3A_332], %gather3A_297 {strides = array<i32>} : memref<4096xf32, #tpu.memory_space<vmem>>, vector<16xf32>,
        %add3A_334 = arith.constant 112 : i32
        %add3A_335 = arith.addi %mul3A_228, %add3A_334 : i32
        %swap3A_336 = arith.index_cast %add3A_335 : i32 to index
        %swap3A_337 = tpu.vector_load %arg9[%swap3A_336] {strides = array<i32>} : memref<4096xf32, #tpu.memory_space<vmem>>, vector<16xf32>,
        tpu.vector_store %arg9[%swap3A_336], %gather3A_298 {strides = array<i32>} : memref<4096xf32, #tpu.memory_space<vmem>>, vector<16xf32>,
        %add3A_338 = arith.constant 128 : i32
        %add3A_339 = arith.addi %mul3A_228, %add3A_338 : i32
        %swap3A_340 = arith.index_cast %add3A_339 : i32 to index
        %swap3A_341 = tpu.vector_load %arg9[%swap3A_340] {strides = array<i32>} : memref<4096xf32, #tpu.memory_space<vmem>>, vector<16xf32>,
        tpu.vector_store %arg9[%swap3A_340], %gather3A_299 {strides = array<i32>} : memref<4096xf32, #tpu.memory_space<vmem>>, vector<16xf32>,
        %add3A_342 = arith.constant 144 : i32
        %add3A_343 = arith.addi %mul3A_228, %add3A_342 : i32
        %swap3A_344 = arith.index_cast %add3A_343 : i32 to index
        %swap3A_345 = tpu.vector_load %arg9[%swap3A_344] {strides = array<i32>} : memref<4096xf32, #tpu.memory_space<vmem>>, vector<16xf32>,
        tpu.vector_store %arg9[%swap3A_344], %gather3A_300 {strides = array<i32>} : memref<4096xf32, #tpu.memory_space<vmem>>, vector<16xf32>,
        %add3A_346 = arith.constant 160 : i32
        %add3A_347 = arith.addi %mul3A_228, %add3A_346 : i32
        %swap3A_348 = arith.index_cast %add3A_347 : i32 to index
        %swap3A_349 = tpu.vector_load %arg9[%swap3A_348] {strides = array<i32>} : memref<4096xf32, #tpu.memory_space<vmem>>, vector<16xf32>,
        tpu.vector_store %arg9[%swap3A_348], %gather3A_301 {strides = array<i32>} : memref<4096xf32, #tpu.memory_space<vmem>>, vector<16xf32>,
        %add3A_350 = arith.constant 176 : i32
        %add3A_351 = arith.addi %mul3A_228, %add3A_350 : i32
        %swap3A_352 = arith.index_cast %add3A_351 : i32 to index
        %swap3A_353 = tpu.vector_load %arg9[%swap3A_352] {strides = array<i32>} : memref<4096xf32, #tpu.memory_space<vmem>>, vector<16xf32>,
        tpu.vector_store %arg9[%swap3A_352], %gather3A_302 {strides = array<i32>} : memref<4096xf32, #tpu.memory_space<vmem>>, vector<16xf32>,
        %add3A_354 = arith.constant 192 : i32
        %add3A_355 = arith.addi %mul3A_228, %add3A_354 : i32
        %swap3A_356 = arith.index_cast %add3A_355 : i32 to index
        %swap3A_357 = tpu.vector_load %arg9[%swap3A_356] {strides = array<i32>} : memref<4096xf32, #tpu.memory_space<vmem>>, vector<16xf32>,
        tpu.vector_store %arg9[%swap3A_356], %gather3A_303 {strides = array<i32>} : memref<4096xf32, #tpu.memory_space<vmem>>, vector<16xf32>,
        %add3A_358 = arith.constant 208 : i32
        %add3A_359 = arith.addi %mul3A_228, %add3A_358 : i32
        %swap3A_360 = arith.index_cast %add3A_359 : i32 to index
        %swap3A_361 = tpu.vector_load %arg9[%swap3A_360] {strides = array<i32>} : memref<4096xf32, #tpu.memory_space<vmem>>, vector<16xf32>,
        tpu.vector_store %arg9[%swap3A_360], %gather3A_304 {strides = array<i32>} : memref<4096xf32, #tpu.memory_space<vmem>>, vector<16xf32>,
        %add3A_362 = arith.constant 224 : i32
        %add3A_363 = arith.addi %mul3A_228, %add3A_362 : i32
        %swap3A_364 = arith.index_cast %add3A_363 : i32 to index
        %swap3A_365 = tpu.vector_load %arg9[%swap3A_364] {strides = array<i32>} : memref<4096xf32, #tpu.memory_space<vmem>>, vector<16xf32>,
        tpu.vector_store %arg9[%swap3A_364], %gather3A_305 {strides = array<i32>} : memref<4096xf32, #tpu.memory_space<vmem>>, vector<16xf32>,
        %add3A_366 = arith.constant 240 : i32
        %add3A_367 = arith.addi %mul3A_228, %add3A_366 : i32
        %swap3A_368 = arith.index_cast %add3A_367 : i32 to index
        %swap3A_369 = tpu.vector_load %arg9[%swap3A_368] {strides = array<i32>} : memref<4096xf32, #tpu.memory_space<vmem>>, vector<16xf32>,
        tpu.vector_store %arg9[%swap3A_368], %gather3A_306 {strides = array<i32>} : memref<4096xf32, #tpu.memory_space<vmem>>, vector<16xf32>,
      }
      %scan3A_154 = arith.constant 16 : i32
      %dma_start3A_155 = arith.constant 4096 : i32
      %dma_start3A_156 = tpu.memref_slice %arg4[%add3A_47, %dma_start3A_155] : memref<832x16384xf32, #tpu.memory_space<hbm>> -> memref<1x4096xf32, #tpu.memory_space<hbm>>
      %dma_start3A_157 = tpu.memref_squeeze %dma_start3A_156 : memref<1x4096xf32, #tpu.memory_space<hbm>> -> memref<4096xf32, #tpu.memory_space<hbm>>
      %dma_start3A_158 = arith.constant 4096 : i32
      %dma_start3A_159 = tpu.memref_slice %arg4[%add3A_47, %dma_start3A_158] : memref<832x16384xf32, #tpu.memory_space<hbm>> -> memref<1x4096xf32, #tpu.memory_space<hbm>>
      %dma_start3A_160 = tpu.memref_squeeze %dma_start3A_159 : memref<1x4096xf32, #tpu.memory_space<hbm>> -> memref<4096xf32, #tpu.memory_space<hbm>>
      tpu.enqueue_dma source(%arg9 : memref<4096xf32, #tpu.memory_space<vmem>>) target(%dma_start3A_160 : memref<4096xf32, #tpu.memory_space<hbm>>) target_semaphore(%arg14 : memref<!tpu.dma_semaphore, #tpu.memory_space<semaphore_mem>>)
      %dma_start3A_161 = arith.constant 12288 : i32
      %dma_start3A_162 = tpu.memref_slice %arg3[%select_n3A_71, %dma_start3A_161] : memref<26x16384xi32, #tpu.memory_space<hbm>> -> memref<1x4096xi32, #tpu.memory_space<hbm>>
      %dma_start3A_163 = tpu.memref_squeeze %dma_start3A_162 : memref<1x4096xi32, #tpu.memory_space<hbm>> -> memref<4096xi32, #tpu.memory_space<hbm>>
      %dma_start3A_164 = arith.constant 12288 : i32
      %dma_start3A_165 = tpu.memref_slice %arg3[%select_n3A_71, %dma_start3A_164] : memref<26x16384xi32, #tpu.memory_space<hbm>> -> memref<1x4096xi32, #tpu.memory_space<hbm>>
      %dma_start3A_166 = tpu.memref_squeeze %dma_start3A_165 : memref<1x4096xi32, #tpu.memory_space<hbm>> -> memref<4096xi32, #tpu.memory_space<hbm>>
      tpu.enqueue_dma source(%dma_start3A_166 : memref<4096xi32, #tpu.memory_space<hbm>>) target(%arg7 : memref<4096xi32, #tpu.memory_space<vmem>>) target_semaphore(%arg13 : memref<!tpu.dma_semaphore, #tpu.memory_space<semaphore_mem>>)
      %dma_wait3A_167 = arith.constant 0 : i32
      %dma_wait3A_168 = arith.constant 0 : i32
      %dma_wait3A_169 = tpu.memref_slice %arg3[%dma_wait3A_167, %dma_wait3A_168] : memref<26x16384xi32, #tpu.memory_space<hbm>> -> memref<1x4096xi32, #tpu.memory_space<hbm>>
      %dma_wait3A_170 = tpu.memref_squeeze %dma_wait3A_169 : memref<1x4096xi32, #tpu.memory_space<hbm>> -> memref<4096xi32, #tpu.memory_space<hbm>>
      %dma_wait3A_171 = arith.constant 0 : i32
      %dma_wait3A_172 = tpu.memref_slice %arg3[%dma_wait3A_167, %dma_wait3A_171] : memref<26x16384xi32, #tpu.memory_space<hbm>> -> memref<1x4096xi32, #tpu.memory_space<hbm>>
      %dma_wait3A_173 = tpu.memref_squeeze %dma_wait3A_172 : memref<1x4096xi32, #tpu.memory_space<hbm>> -> memref<4096xi32, #tpu.memory_space<hbm>>
      tpu.wait_dma2 semaphore(%arg12 : memref<!tpu.dma_semaphore, #tpu.memory_space<semaphore_mem>>) src(%dma_wait3A_173 : memref<4096xi32, #tpu.memory_space<hbm>>) dst(%arg6 : memref<4096xi32, #tpu.memory_space<vmem>>)
      %dma_wait3A_174 = arith.constant 0 : i32
      %dma_wait3A_175 = tpu.memref_slice %arg4[%mul3A_2, %dma_wait3A_174] : memref<832x16384xf32, #tpu.memory_space<hbm>> -> memref<1x4096xf32, #tpu.memory_space<hbm>>
      %dma_wait3A_176 = tpu.memref_squeeze %dma_wait3A_175 : memref<1x4096xf32, #tpu.memory_space<hbm>> -> memref<4096xf32, #tpu.memory_space<hbm>>
      %dma_wait3A_177 = arith.constant 0 : i32
      %dma_wait3A_178 = tpu.memref_slice %arg4[%mul3A_2, %dma_wait3A_177] : memref<832x16384xf32, #tpu.memory_space<hbm>> -> memref<1x4096xf32, #tpu.memory_space<hbm>>
      %dma_wait3A_179 = tpu.memref_squeeze %dma_wait3A_178 : memref<1x4096xf32, #tpu.memory_space<hbm>> -> memref<4096xf32, #tpu.memory_space<hbm>>
      tpu.wait_dma2 semaphore(%arg14 : memref<!tpu.dma_semaphore, #tpu.memory_space<semaphore_mem>>) src(%arg8 : memref<4096xf32, #tpu.memory_space<vmem>>) dst(%dma_wait3A_179 : memref<4096xf32, #tpu.memory_space<hbm>>)
      %scan3A_180 = arith.constant 0 : i32
      %scan3A_181 = arith.constant 0 : i32
      %scan3A_182 = arith.constant 16 : i32
      %scan3A_183 = arith.addi %scan3A_181, %scan3A_182 : i32
      %scan3A_184 = arith.constant 1 : i32
      scf.for %scan3A_226 = %scan3A_181 to %scan3A_183 step %scan3A_184  : i32 {
        %mul3A_227 = arith.constant 256 : i32
        %mul3A_228 = arith.muli %scan3A_226, %mul3A_227 : i32
        %add3A_229 = arith.constant 0 : i32
        %add3A_230 = arith.addi %mul3A_228, %add3A_229 : i32
        %get3A = arith.index_cast %add3A_230 : i32 to index
        %get3A_231 = tpu.vector_load %arg6[%get3A] {strides = array<i32>} : memref<4096xi32, #tpu.memory_space<vmem>>, vector<16xi32>,
        %add3A_232 = arith.constant 16 : i32
        %add3A_233 = arith.addi %mul3A_228, %add3A_232 : i32
        %get3A_234 = arith.index_cast %add3A_233 : i32 to index
        %get3A_235 = tpu.vector_load %arg6[%get3A_234] {strides = array<i32>} : memref<4096xi32, #tpu.memory_space<vmem>>, vector<16xi32>,
        %add3A_236 = arith.constant 32 : i32
        %add3A_237 = arith.addi %mul3A_228, %add3A_236 : i32
        %get3A_238 = arith.index_cast %add3A_237 : i32 to index
        %get3A_239 = tpu.vector_load %arg6[%get3A_238] {strides = array<i32>} : memref<4096xi32, #tpu.memory_space<vmem>>, vector<16xi32>,
        %add3A_240 = arith.constant 48 : i32
        %add3A_241 = arith.addi %mul3A_228, %add3A_240 : i32
        %get3A_242 = arith.index_cast %add3A_241 : i32 to index
        %get3A_243 = tpu.vector_load %arg6[%get3A_242] {strides = array<i32>} : memref<4096xi32, #tpu.memory_space<vmem>>, vector<16xi32>,
        %add3A_244 = arith.constant 64 : i32
        %add3A_245 = arith.addi %mul3A_228, %add3A_244 : i32
        %get3A_246 = arith.index_cast %add3A_245 : i32 to index
        %get3A_247 = tpu.vector_load %arg6[%get3A_246] {strides = array<i32>} : memref<4096xi32, #tpu.memory_space<vmem>>, vector<16xi32>,
        %add3A_248 = arith.constant 80 : i32
        %add3A_249 = arith.addi %mul3A_228, %add3A_248 : i32
        %get3A_250 = arith.index_cast %add3A_249 : i32 to index
        %get3A_251 = tpu.vector_load %arg6[%get3A_250] {strides = array<i32>} : memref<4096xi32, #tpu.memory_space<vmem>>, vector<16xi32>,
        %add3A_252 = arith.constant 96 : i32
        %add3A_253 = arith.addi %mul3A_228, %add3A_252 : i32
        %get3A_254 = arith.index_cast %add3A_253 : i32 to index
        %get3A_255 = tpu.vector_load %arg6[%get3A_254] {strides = array<i32>} : memref<4096xi32, #tpu.memory_space<vmem>>, vector<16xi32>,
        %add3A_256 = arith.constant 112 : i32
        %add3A_257 = arith.addi %mul3A_228, %add3A_256 : i32
        %get3A_258 = arith.index_cast %add3A_257 : i32 to index
        %get3A_259 = tpu.vector_load %arg6[%get3A_258] {strides = array<i32>} : memref<4096xi32, #tpu.memory_space<vmem>>, vector<16xi32>,
        %add3A_260 = arith.constant 128 : i32
        %add3A_261 = arith.addi %mul3A_228, %add3A_260 : i32
        %get3A_262 = arith.index_cast %add3A_261 : i32 to index
        %get3A_263 = tpu.vector_load %arg6[%get3A_262] {strides = array<i32>} : memref<4096xi32, #tpu.memory_space<vmem>>, vector<16xi32>,
        %add3A_264 = arith.constant 144 : i32
        %add3A_265 = arith.addi %mul3A_228, %add3A_264 : i32
        %get3A_266 = arith.index_cast %add3A_265 : i32 to index
        %get3A_267 = tpu.vector_load %arg6[%get3A_266] {strides = array<i32>} : memref<4096xi32, #tpu.memory_space<vmem>>, vector<16xi32>,
        %add3A_268 = arith.constant 160 : i32
        %add3A_269 = arith.addi %mul3A_228, %add3A_268 : i32
        %get3A_270 = arith.index_cast %add3A_269 : i32 to index
        %get3A_271 = tpu.vector_load %arg6[%get3A_270] {strides = array<i32>} : memref<4096xi32, #tpu.memory_space<vmem>>, vector<16xi32>,
        %add3A_272 = arith.constant 176 : i32
        %add3A_273 = arith.addi %mul3A_228, %add3A_272 : i32
        %get3A_274 = arith.index_cast %add3A_273 : i32 to index
        %get3A_275 = tpu.vector_load %arg6[%get3A_274] {strides = array<i32>} : memref<4096xi32, #tpu.memory_space<vmem>>, vector<16xi32>,
        %add3A_276 = arith.constant 192 : i32
        %add3A_277 = arith.addi %mul3A_228, %add3A_276 : i32
        %get3A_278 = arith.index_cast %add3A_277 : i32 to index
        %get3A_279 = tpu.vector_load %arg6[%get3A_278] {strides = array<i32>} : memref<4096xi32, #tpu.memory_space<vmem>>, vector<16xi32>,
        %add3A_280 = arith.constant 208 : i32
        %add3A_281 = arith.addi %mul3A_228, %add3A_280 : i32
        %get3A_282 = arith.index_cast %add3A_281 : i32 to index
        %get3A_283 = tpu.vector_load %arg6[%get3A_282] {strides = array<i32>} : memref<4096xi32, #tpu.memory_space<vmem>>, vector<16xi32>,
        %add3A_284 = arith.constant 224 : i32
        %add3A_285 = arith.addi %mul3A_228, %add3A_284 : i32
        %get3A_286 = arith.index_cast %add3A_285 : i32 to index
        %get3A_287 = tpu.vector_load %arg6[%get3A_286] {strides = array<i32>} : memref<4096xi32, #tpu.memory_space<vmem>>, vector<16xi32>,
        %add3A_288 = arith.constant 240 : i32
        %add3A_289 = arith.addi %mul3A_228, %add3A_288 : i32
        %get3A_290 = arith.index_cast %add3A_289 : i32 to index
        %get3A_291 = tpu.vector_load %arg6[%get3A_290] {strides = array<i32>} : memref<4096xi32, #tpu.memory_space<vmem>>, vector<16xi32>,
        %gather3A = tpu.vector_load_idx %arg5[%get3A_231] : memref<100000xf32, #tpu.memory_space<vmem>>[vector<16xi32>], vector<16xf32>,
        %gather3A_292 = tpu.vector_load_idx %arg5[%get3A_235] : memref<100000xf32, #tpu.memory_space<vmem>>[vector<16xi32>], vector<16xf32>,
        %gather3A_293 = tpu.vector_load_idx %arg5[%get3A_239] : memref<100000xf32, #tpu.memory_space<vmem>>[vector<16xi32>], vector<16xf32>,
        %gather3A_294 = tpu.vector_load_idx %arg5[%get3A_243] : memref<100000xf32, #tpu.memory_space<vmem>>[vector<16xi32>], vector<16xf32>,
        %gather3A_295 = tpu.vector_load_idx %arg5[%get3A_247] : memref<100000xf32, #tpu.memory_space<vmem>>[vector<16xi32>], vector<16xf32>,
        %gather3A_296 = tpu.vector_load_idx %arg5[%get3A_251] : memref<100000xf32, #tpu.memory_space<vmem>>[vector<16xi32>], vector<16xf32>,
        %gather3A_297 = tpu.vector_load_idx %arg5[%get3A_255] : memref<100000xf32, #tpu.memory_space<vmem>>[vector<16xi32>], vector<16xf32>,
        %gather3A_298 = tpu.vector_load_idx %arg5[%get3A_259] : memref<100000xf32, #tpu.memory_space<vmem>>[vector<16xi32>], vector<16xf32>,
        %gather3A_299 = tpu.vector_load_idx %arg5[%get3A_263] : memref<100000xf32, #tpu.memory_space<vmem>>[vector<16xi32>], vector<16xf32>,
        %gather3A_300 = tpu.vector_load_idx %arg5[%get3A_267] : memref<100000xf32, #tpu.memory_space<vmem>>[vector<16xi32>], vector<16xf32>,
        %gather3A_301 = tpu.vector_load_idx %arg5[%get3A_271] : memref<100000xf32, #tpu.memory_space<vmem>>[vector<16xi32>], vector<16xf32>,
        %gather3A_302 = tpu.vector_load_idx %arg5[%get3A_275] : memref<100000xf32, #tpu.memory_space<vmem>>[vector<16xi32>], vector<16xf32>,
        %gather3A_303 = tpu.vector_load_idx %arg5[%get3A_279] : memref<100000xf32, #tpu.memory_space<vmem>>[vector<16xi32>], vector<16xf32>,
        %gather3A_304 = tpu.vector_load_idx %arg5[%get3A_283] : memref<100000xf32, #tpu.memory_space<vmem>>[vector<16xi32>], vector<16xf32>,
        %gather3A_305 = tpu.vector_load_idx %arg5[%get3A_287] : memref<100000xf32, #tpu.memory_space<vmem>>[vector<16xi32>], vector<16xf32>,
        %gather3A_306 = tpu.vector_load_idx %arg5[%get3A_291] : memref<100000xf32, #tpu.memory_space<vmem>>[vector<16xi32>], vector<16xf32>,
        %add3A_307 = arith.constant 0 : i32
        %add3A_308 = arith.addi %mul3A_228, %add3A_307 : i32
        %swap3A = arith.index_cast %add3A_308 : i32 to index
        %swap3A_309 = tpu.vector_load %arg8[%swap3A] {strides = array<i32>} : memref<4096xf32, #tpu.memory_space<vmem>>, vector<16xf32>,
        tpu.vector_store %arg8[%swap3A], %gather3A {strides = array<i32>} : memref<4096xf32, #tpu.memory_space<vmem>>, vector<16xf32>,
        %add3A_310 = arith.constant 16 : i32
        %add3A_311 = arith.addi %mul3A_228, %add3A_310 : i32
        %swap3A_312 = arith.index_cast %add3A_311 : i32 to index
        %swap3A_313 = tpu.vector_load %arg8[%swap3A_312] {strides = array<i32>} : memref<4096xf32, #tpu.memory_space<vmem>>, vector<16xf32>,
        tpu.vector_store %arg8[%swap3A_312], %gather3A_292 {strides = array<i32>} : memref<4096xf32, #tpu.memory_space<vmem>>, vector<16xf32>,
        %add3A_314 = arith.constant 32 : i32
        %add3A_315 = arith.addi %mul3A_228, %add3A_314 : i32
        %swap3A_316 = arith.index_cast %add3A_315 : i32 to index
        %swap3A_317 = tpu.vector_load %arg8[%swap3A_316] {strides = array<i32>} : memref<4096xf32, #tpu.memory_space<vmem>>, vector<16xf32>,
        tpu.vector_store %arg8[%swap3A_316], %gather3A_293 {strides = array<i32>} : memref<4096xf32, #tpu.memory_space<vmem>>, vector<16xf32>,
        %add3A_318 = arith.constant 48 : i32
        %add3A_319 = arith.addi %mul3A_228, %add3A_318 : i32
        %swap3A_320 = arith.index_cast %add3A_319 : i32 to index
        %swap3A_321 = tpu.vector_load %arg8[%swap3A_320] {strides = array<i32>} : memref<4096xf32, #tpu.memory_space<vmem>>, vector<16xf32>,
        tpu.vector_store %arg8[%swap3A_320], %gather3A_294 {strides = array<i32>} : memref<4096xf32, #tpu.memory_space<vmem>>, vector<16xf32>,
        %add3A_322 = arith.constant 64 : i32
        %add3A_323 = arith.addi %mul3A_228, %add3A_322 : i32
        %swap3A_324 = arith.index_cast %add3A_323 : i32 to index
        %swap3A_325 = tpu.vector_load %arg8[%swap3A_324] {strides = array<i32>} : memref<4096xf32, #tpu.memory_space<vmem>>, vector<16xf32>,
        tpu.vector_store %arg8[%swap3A_324], %gather3A_295 {strides = array<i32>} : memref<4096xf32, #tpu.memory_space<vmem>>, vector<16xf32>,
        %add3A_326 = arith.constant 80 : i32
        %add3A_327 = arith.addi %mul3A_228, %add3A_326 : i32
        %swap3A_328 = arith.index_cast %add3A_327 : i32 to index
        %swap3A_329 = tpu.vector_load %arg8[%swap3A_328] {strides = array<i32>} : memref<4096xf32, #tpu.memory_space<vmem>>, vector<16xf32>,
        tpu.vector_store %arg8[%swap3A_328], %gather3A_296 {strides = array<i32>} : memref<4096xf32, #tpu.memory_space<vmem>>, vector<16xf32>,
        %add3A_330 = arith.constant 96 : i32
        %add3A_331 = arith.addi %mul3A_228, %add3A_330 : i32
        %swap3A_332 = arith.index_cast %add3A_331 : i32 to index
        %swap3A_333 = tpu.vector_load %arg8[%swap3A_332] {strides = array<i32>} : memref<4096xf32, #tpu.memory_space<vmem>>, vector<16xf32>,
        tpu.vector_store %arg8[%swap3A_332], %gather3A_297 {strides = array<i32>} : memref<4096xf32, #tpu.memory_space<vmem>>, vector<16xf32>,
        %add3A_334 = arith.constant 112 : i32
        %add3A_335 = arith.addi %mul3A_228, %add3A_334 : i32
        %swap3A_336 = arith.index_cast %add3A_335 : i32 to index
        %swap3A_337 = tpu.vector_load %arg8[%swap3A_336] {strides = array<i32>} : memref<4096xf32, #tpu.memory_space<vmem>>, vector<16xf32>,
        tpu.vector_store %arg8[%swap3A_336], %gather3A_298 {strides = array<i32>} : memref<4096xf32, #tpu.memory_space<vmem>>, vector<16xf32>,
        %add3A_338 = arith.constant 128 : i32
        %add3A_339 = arith.addi %mul3A_228, %add3A_338 : i32
        %swap3A_340 = arith.index_cast %add3A_339 : i32 to index
        %swap3A_341 = tpu.vector_load %arg8[%swap3A_340] {strides = array<i32>} : memref<4096xf32, #tpu.memory_space<vmem>>, vector<16xf32>,
        tpu.vector_store %arg8[%swap3A_340], %gather3A_299 {strides = array<i32>} : memref<4096xf32, #tpu.memory_space<vmem>>, vector<16xf32>,
        %add3A_342 = arith.constant 144 : i32
        %add3A_343 = arith.addi %mul3A_228, %add3A_342 : i32
        %swap3A_344 = arith.index_cast %add3A_343 : i32 to index
        %swap3A_345 = tpu.vector_load %arg8[%swap3A_344] {strides = array<i32>} : memref<4096xf32, #tpu.memory_space<vmem>>, vector<16xf32>,
        tpu.vector_store %arg8[%swap3A_344], %gather3A_300 {strides = array<i32>} : memref<4096xf32, #tpu.memory_space<vmem>>, vector<16xf32>,
        %add3A_346 = arith.constant 160 : i32
        %add3A_347 = arith.addi %mul3A_228, %add3A_346 : i32
        %swap3A_348 = arith.index_cast %add3A_347 : i32 to index
        %swap3A_349 = tpu.vector_load %arg8[%swap3A_348] {strides = array<i32>} : memref<4096xf32, #tpu.memory_space<vmem>>, vector<16xf32>,
        tpu.vector_store %arg8[%swap3A_348], %gather3A_301 {strides = array<i32>} : memref<4096xf32, #tpu.memory_space<vmem>>, vector<16xf32>,
        %add3A_350 = arith.constant 176 : i32
        %add3A_351 = arith.addi %mul3A_228, %add3A_350 : i32
        %swap3A_352 = arith.index_cast %add3A_351 : i32 to index
        %swap3A_353 = tpu.vector_load %arg8[%swap3A_352] {strides = array<i32>} : memref<4096xf32, #tpu.memory_space<vmem>>, vector<16xf32>,
        tpu.vector_store %arg8[%swap3A_352], %gather3A_302 {strides = array<i32>} : memref<4096xf32, #tpu.memory_space<vmem>>, vector<16xf32>,
        %add3A_354 = arith.constant 192 : i32
        %add3A_355 = arith.addi %mul3A_228, %add3A_354 : i32
        %swap3A_356 = arith.index_cast %add3A_355 : i32 to index
        %swap3A_357 = tpu.vector_load %arg8[%swap3A_356] {strides = array<i32>} : memref<4096xf32, #tpu.memory_space<vmem>>, vector<16xf32>,
        tpu.vector_store %arg8[%swap3A_356], %gather3A_303 {strides = array<i32>} : memref<4096xf32, #tpu.memory_space<vmem>>, vector<16xf32>,
        %add3A_358 = arith.constant 208 : i32
        %add3A_359 = arith.addi %mul3A_228, %add3A_358 : i32
        %swap3A_360 = arith.index_cast %add3A_359 : i32 to index
        %swap3A_361 = tpu.vector_load %arg8[%swap3A_360] {strides = array<i32>} : memref<4096xf32, #tpu.memory_space<vmem>>, vector<16xf32>,
        tpu.vector_store %arg8[%swap3A_360], %gather3A_304 {strides = array<i32>} : memref<4096xf32, #tpu.memory_space<vmem>>, vector<16xf32>,
        %add3A_362 = arith.constant 224 : i32
        %add3A_363 = arith.addi %mul3A_228, %add3A_362 : i32
        %swap3A_364 = arith.index_cast %add3A_363 : i32 to index
        %swap3A_365 = tpu.vector_load %arg8[%swap3A_364] {strides = array<i32>} : memref<4096xf32, #tpu.memory_space<vmem>>, vector<16xf32>,
        tpu.vector_store %arg8[%swap3A_364], %gather3A_305 {strides = array<i32>} : memref<4096xf32, #tpu.memory_space<vmem>>, vector<16xf32>,
        %add3A_366 = arith.constant 240 : i32
        %add3A_367 = arith.addi %mul3A_228, %add3A_366 : i32
        %swap3A_368 = arith.index_cast %add3A_367 : i32 to index
        %swap3A_369 = tpu.vector_load %arg8[%swap3A_368] {strides = array<i32>} : memref<4096xf32, #tpu.memory_space<vmem>>, vector<16xf32>,
        tpu.vector_store %arg8[%swap3A_368], %gather3A_306 {strides = array<i32>} : memref<4096xf32, #tpu.memory_space<vmem>>, vector<16xf32>,
      }
      %scan3A_185 = arith.constant 16 : i32
      %dma_start3A_186 = arith.constant 8192 : i32
      %dma_start3A_187 = tpu.memref_slice %arg4[%add3A_47, %dma_start3A_186] : memref<832x16384xf32, #tpu.memory_space<hbm>> -> memref<1x4096xf32, #tpu.memory_space<hbm>>
      %dma_start3A_188 = tpu.memref_squeeze %dma_start3A_187 : memref<1x4096xf32, #tpu.memory_space<hbm>> -> memref<4096xf32, #tpu.memory_space<hbm>>
      %dma_start3A_189 = arith.constant 8192 : i32
      %dma_start3A_190 = tpu.memref_slice %arg4[%add3A_47, %dma_start3A_189] : memref<832x16384xf32, #tpu.memory_space<hbm>> -> memref<1x4096xf32, #tpu.memory_space<hbm>>
      %dma_start3A_191 = tpu.memref_squeeze %dma_start3A_190 : memref<1x4096xf32, #tpu.memory_space<hbm>> -> memref<4096xf32, #tpu.memory_space<hbm>>
      tpu.enqueue_dma source(%arg8 : memref<4096xf32, #tpu.memory_space<vmem>>) target(%dma_start3A_191 : memref<4096xf32, #tpu.memory_space<hbm>>) target_semaphore(%arg14 : memref<!tpu.dma_semaphore, #tpu.memory_space<semaphore_mem>>)
      %lt3A = arith.constant 25 : i32
      %lt3A_192 = arith.cmpi slt, %scan3A_46, %lt3A : i32
      %convert_element_type3A_193 = arith.extui %lt3A_192 : i1 to i32
      %cond3A_194 = arith.constant 0 : i32
      %cond3A_195 = arith.cmpi ne, %convert_element_type3A_193, %cond3A_194 : i32
      scf.if %cond3A_195 {
        %dma_start3A_226 = arith.constant 0 : i32
        %dma_start3A_227 = tpu.memref_slice %arg3[%select_n3A_97, %dma_start3A_226] : memref<26x16384xi32, #tpu.memory_space<hbm>> -> memref<1x4096xi32, #tpu.memory_space<hbm>>
        %dma_start3A_228 = tpu.memref_squeeze %dma_start3A_227 : memref<1x4096xi32, #tpu.memory_space<hbm>> -> memref<4096xi32, #tpu.memory_space<hbm>>
        %dma_start3A_229 = arith.constant 0 : i32
        %dma_start3A_230 = tpu.memref_slice %arg3[%select_n3A_97, %dma_start3A_229] : memref<26x16384xi32, #tpu.memory_space<hbm>> -> memref<1x4096xi32, #tpu.memory_space<hbm>>
        %dma_start3A_231 = tpu.memref_squeeze %dma_start3A_230 : memref<1x4096xi32, #tpu.memory_space<hbm>> -> memref<4096xi32, #tpu.memory_space<hbm>>
        tpu.enqueue_dma source(%dma_start3A_231 : memref<4096xi32, #tpu.memory_space<hbm>>) target(%arg6 : memref<4096xi32, #tpu.memory_space<vmem>>) target_semaphore(%arg12 : memref<!tpu.dma_semaphore, #tpu.memory_space<semaphore_mem>>)
      } else {
      }
      %dma_wait3A_196 = arith.constant 0 : i32
      %dma_wait3A_197 = arith.constant 0 : i32
      %dma_wait3A_198 = tpu.memref_slice %arg3[%dma_wait3A_196, %dma_wait3A_197] : memref<26x16384xi32, #tpu.memory_space<hbm>> -> memref<1x4096xi32, #tpu.memory_space<hbm>>
      %dma_wait3A_199 = tpu.memref_squeeze %dma_wait3A_198 : memref<1x4096xi32, #tpu.memory_space<hbm>> -> memref<4096xi32, #tpu.memory_space<hbm>>
      %dma_wait3A_200 = arith.constant 0 : i32
      %dma_wait3A_201 = tpu.memref_slice %arg3[%dma_wait3A_196, %dma_wait3A_200] : memref<26x16384xi32, #tpu.memory_space<hbm>> -> memref<1x4096xi32, #tpu.memory_space<hbm>>
      %dma_wait3A_202 = tpu.memref_squeeze %dma_wait3A_201 : memref<1x4096xi32, #tpu.memory_space<hbm>> -> memref<4096xi32, #tpu.memory_space<hbm>>
      tpu.wait_dma2 semaphore(%arg13 : memref<!tpu.dma_semaphore, #tpu.memory_space<semaphore_mem>>) src(%dma_wait3A_202 : memref<4096xi32, #tpu.memory_space<hbm>>) dst(%arg7 : memref<4096xi32, #tpu.memory_space<vmem>>)
      %dma_wait3A_203 = arith.constant 0 : i32
      %dma_wait3A_204 = tpu.memref_slice %arg4[%mul3A_2, %dma_wait3A_203] : memref<832x16384xf32, #tpu.memory_space<hbm>> -> memref<1x4096xf32, #tpu.memory_space<hbm>>
      %dma_wait3A_205 = tpu.memref_squeeze %dma_wait3A_204 : memref<1x4096xf32, #tpu.memory_space<hbm>> -> memref<4096xf32, #tpu.memory_space<hbm>>
      %dma_wait3A_206 = arith.constant 0 : i32
      %dma_wait3A_207 = tpu.memref_slice %arg4[%mul3A_2, %dma_wait3A_206] : memref<832x16384xf32, #tpu.memory_space<hbm>> -> memref<1x4096xf32, #tpu.memory_space<hbm>>
      %dma_wait3A_208 = tpu.memref_squeeze %dma_wait3A_207 : memref<1x4096xf32, #tpu.memory_space<hbm>> -> memref<4096xf32, #tpu.memory_space<hbm>>
      tpu.wait_dma2 semaphore(%arg14 : memref<!tpu.dma_semaphore, #tpu.memory_space<semaphore_mem>>) src(%arg9 : memref<4096xf32, #tpu.memory_space<vmem>>) dst(%dma_wait3A_208 : memref<4096xf32, #tpu.memory_space<hbm>>)
      %scan3A_209 = arith.constant 0 : i32
      %scan3A_210 = arith.constant 0 : i32
      %scan3A_211 = arith.constant 16 : i32
      %scan3A_212 = arith.addi %scan3A_210, %scan3A_211 : i32
      %scan3A_213 = arith.constant 1 : i32
      scf.for %scan3A_226 = %scan3A_210 to %scan3A_212 step %scan3A_213  : i32 {
        %mul3A_227 = arith.constant 256 : i32
        %mul3A_228 = arith.muli %scan3A_226, %mul3A_227 : i32
        %add3A_229 = arith.constant 0 : i32
        %add3A_230 = arith.addi %mul3A_228, %add3A_229 : i32
        %get3A = arith.index_cast %add3A_230 : i32 to index
        %get3A_231 = tpu.vector_load %arg7[%get3A] {strides = array<i32>} : memref<4096xi32, #tpu.memory_space<vmem>>, vector<16xi32>,
        %add3A_232 = arith.constant 16 : i32
        %add3A_233 = arith.addi %mul3A_228, %add3A_232 : i32
        %get3A_234 = arith.index_cast %add3A_233 : i32 to index
        %get3A_235 = tpu.vector_load %arg7[%get3A_234] {strides = array<i32>} : memref<4096xi32, #tpu.memory_space<vmem>>, vector<16xi32>,
        %add3A_236 = arith.constant 32 : i32
        %add3A_237 = arith.addi %mul3A_228, %add3A_236 : i32
        %get3A_238 = arith.index_cast %add3A_237 : i32 to index
        %get3A_239 = tpu.vector_load %arg7[%get3A_238] {strides = array<i32>} : memref<4096xi32, #tpu.memory_space<vmem>>, vector<16xi32>,
        %add3A_240 = arith.constant 48 : i32
        %add3A_241 = arith.addi %mul3A_228, %add3A_240 : i32
        %get3A_242 = arith.index_cast %add3A_241 : i32 to index
        %get3A_243 = tpu.vector_load %arg7[%get3A_242] {strides = array<i32>} : memref<4096xi32, #tpu.memory_space<vmem>>, vector<16xi32>,
        %add3A_244 = arith.constant 64 : i32
        %add3A_245 = arith.addi %mul3A_228, %add3A_244 : i32
        %get3A_246 = arith.index_cast %add3A_245 : i32 to index
        %get3A_247 = tpu.vector_load %arg7[%get3A_246] {strides = array<i32>} : memref<4096xi32, #tpu.memory_space<vmem>>, vector<16xi32>,
        %add3A_248 = arith.constant 80 : i32
        %add3A_249 = arith.addi %mul3A_228, %add3A_248 : i32
        %get3A_250 = arith.index_cast %add3A_249 : i32 to index
        %get3A_251 = tpu.vector_load %arg7[%get3A_250] {strides = array<i32>} : memref<4096xi32, #tpu.memory_space<vmem>>, vector<16xi32>,
        %add3A_252 = arith.constant 96 : i32
        %add3A_253 = arith.addi %mul3A_228, %add3A_252 : i32
        %get3A_254 = arith.index_cast %add3A_253 : i32 to index
        %get3A_255 = tpu.vector_load %arg7[%get3A_254] {strides = array<i32>} : memref<4096xi32, #tpu.memory_space<vmem>>, vector<16xi32>,
        %add3A_256 = arith.constant 112 : i32
        %add3A_257 = arith.addi %mul3A_228, %add3A_256 : i32
        %get3A_258 = arith.index_cast %add3A_257 : i32 to index
        %get3A_259 = tpu.vector_load %arg7[%get3A_258] {strides = array<i32>} : memref<4096xi32, #tpu.memory_space<vmem>>, vector<16xi32>,
        %add3A_260 = arith.constant 128 : i32
        %add3A_261 = arith.addi %mul3A_228, %add3A_260 : i32
        %get3A_262 = arith.index_cast %add3A_261 : i32 to index
        %get3A_263 = tpu.vector_load %arg7[%get3A_262] {strides = array<i32>} : memref<4096xi32, #tpu.memory_space<vmem>>, vector<16xi32>,
        %add3A_264 = arith.constant 144 : i32
        %add3A_265 = arith.addi %mul3A_228, %add3A_264 : i32
        %get3A_266 = arith.index_cast %add3A_265 : i32 to index
        %get3A_267 = tpu.vector_load %arg7[%get3A_266] {strides = array<i32>} : memref<4096xi32, #tpu.memory_space<vmem>>, vector<16xi32>,
        %add3A_268 = arith.constant 160 : i32
        %add3A_269 = arith.addi %mul3A_228, %add3A_268 : i32
        %get3A_270 = arith.index_cast %add3A_269 : i32 to index
        %get3A_271 = tpu.vector_load %arg7[%get3A_270] {strides = array<i32>} : memref<4096xi32, #tpu.memory_space<vmem>>, vector<16xi32>,
        %add3A_272 = arith.constant 176 : i32
        %add3A_273 = arith.addi %mul3A_228, %add3A_272 : i32
        %get3A_274 = arith.index_cast %add3A_273 : i32 to index
        %get3A_275 = tpu.vector_load %arg7[%get3A_274] {strides = array<i32>} : memref<4096xi32, #tpu.memory_space<vmem>>, vector<16xi32>,
        %add3A_276 = arith.constant 192 : i32
        %add3A_277 = arith.addi %mul3A_228, %add3A_276 : i32
        %get3A_278 = arith.index_cast %add3A_277 : i32 to index
        %get3A_279 = tpu.vector_load %arg7[%get3A_278] {strides = array<i32>} : memref<4096xi32, #tpu.memory_space<vmem>>, vector<16xi32>,
        %add3A_280 = arith.constant 208 : i32
        %add3A_281 = arith.addi %mul3A_228, %add3A_280 : i32
        %get3A_282 = arith.index_cast %add3A_281 : i32 to index
        %get3A_283 = tpu.vector_load %arg7[%get3A_282] {strides = array<i32>} : memref<4096xi32, #tpu.memory_space<vmem>>, vector<16xi32>,
        %add3A_284 = arith.constant 224 : i32
        %add3A_285 = arith.addi %mul3A_228, %add3A_284 : i32
        %get3A_286 = arith.index_cast %add3A_285 : i32 to index
        %get3A_287 = tpu.vector_load %arg7[%get3A_286] {strides = array<i32>} : memref<4096xi32, #tpu.memory_space<vmem>>, vector<16xi32>,
        %add3A_288 = arith.constant 240 : i32
        %add3A_289 = arith.addi %mul3A_228, %add3A_288 : i32
        %get3A_290 = arith.index_cast %add3A_289 : i32 to index
        %get3A_291 = tpu.vector_load %arg7[%get3A_290] {strides = array<i32>} : memref<4096xi32, #tpu.memory_space<vmem>>, vector<16xi32>,
        %gather3A = tpu.vector_load_idx %arg5[%get3A_231] : memref<100000xf32, #tpu.memory_space<vmem>>[vector<16xi32>], vector<16xf32>,
        %gather3A_292 = tpu.vector_load_idx %arg5[%get3A_235] : memref<100000xf32, #tpu.memory_space<vmem>>[vector<16xi32>], vector<16xf32>,
        %gather3A_293 = tpu.vector_load_idx %arg5[%get3A_239] : memref<100000xf32, #tpu.memory_space<vmem>>[vector<16xi32>], vector<16xf32>,
        %gather3A_294 = tpu.vector_load_idx %arg5[%get3A_243] : memref<100000xf32, #tpu.memory_space<vmem>>[vector<16xi32>], vector<16xf32>,
        %gather3A_295 = tpu.vector_load_idx %arg5[%get3A_247] : memref<100000xf32, #tpu.memory_space<vmem>>[vector<16xi32>], vector<16xf32>,
        %gather3A_296 = tpu.vector_load_idx %arg5[%get3A_251] : memref<100000xf32, #tpu.memory_space<vmem>>[vector<16xi32>], vector<16xf32>,
        %gather3A_297 = tpu.vector_load_idx %arg5[%get3A_255] : memref<100000xf32, #tpu.memory_space<vmem>>[vector<16xi32>], vector<16xf32>,
        %gather3A_298 = tpu.vector_load_idx %arg5[%get3A_259] : memref<100000xf32, #tpu.memory_space<vmem>>[vector<16xi32>], vector<16xf32>,
        %gather3A_299 = tpu.vector_load_idx %arg5[%get3A_263] : memref<100000xf32, #tpu.memory_space<vmem>>[vector<16xi32>], vector<16xf32>,
        %gather3A_300 = tpu.vector_load_idx %arg5[%get3A_267] : memref<100000xf32, #tpu.memory_space<vmem>>[vector<16xi32>], vector<16xf32>,
        %gather3A_301 = tpu.vector_load_idx %arg5[%get3A_271] : memref<100000xf32, #tpu.memory_space<vmem>>[vector<16xi32>], vector<16xf32>,
        %gather3A_302 = tpu.vector_load_idx %arg5[%get3A_275] : memref<100000xf32, #tpu.memory_space<vmem>>[vector<16xi32>], vector<16xf32>,
        %gather3A_303 = tpu.vector_load_idx %arg5[%get3A_279] : memref<100000xf32, #tpu.memory_space<vmem>>[vector<16xi32>], vector<16xf32>,
        %gather3A_304 = tpu.vector_load_idx %arg5[%get3A_283] : memref<100000xf32, #tpu.memory_space<vmem>>[vector<16xi32>], vector<16xf32>,
        %gather3A_305 = tpu.vector_load_idx %arg5[%get3A_287] : memref<100000xf32, #tpu.memory_space<vmem>>[vector<16xi32>], vector<16xf32>,
        %gather3A_306 = tpu.vector_load_idx %arg5[%get3A_291] : memref<100000xf32, #tpu.memory_space<vmem>>[vector<16xi32>], vector<16xf32>,
        %add3A_307 = arith.constant 0 : i32
        %add3A_308 = arith.addi %mul3A_228, %add3A_307 : i32
        %swap3A = arith.index_cast %add3A_308 : i32 to index
        %swap3A_309 = tpu.vector_load %arg9[%swap3A] {strides = array<i32>} : memref<4096xf32, #tpu.memory_space<vmem>>, vector<16xf32>,
        tpu.vector_store %arg9[%swap3A], %gather3A {strides = array<i32>} : memref<4096xf32, #tpu.memory_space<vmem>>, vector<16xf32>,
        %add3A_310 = arith.constant 16 : i32
        %add3A_311 = arith.addi %mul3A_228, %add3A_310 : i32
        %swap3A_312 = arith.index_cast %add3A_311 : i32 to index
        %swap3A_313 = tpu.vector_load %arg9[%swap3A_312] {strides = array<i32>} : memref<4096xf32, #tpu.memory_space<vmem>>, vector<16xf32>,
        tpu.vector_store %arg9[%swap3A_312], %gather3A_292 {strides = array<i32>} : memref<4096xf32, #tpu.memory_space<vmem>>, vector<16xf32>,
        %add3A_314 = arith.constant 32 : i32
        %add3A_315 = arith.addi %mul3A_228, %add3A_314 : i32
        %swap3A_316 = arith.index_cast %add3A_315 : i32 to index
        %swap3A_317 = tpu.vector_load %arg9[%swap3A_316] {strides = array<i32>} : memref<4096xf32, #tpu.memory_space<vmem>>, vector<16xf32>,
        tpu.vector_store %arg9[%swap3A_316], %gather3A_293 {strides = array<i32>} : memref<4096xf32, #tpu.memory_space<vmem>>, vector<16xf32>,
        %add3A_318 = arith.constant 48 : i32
        %add3A_319 = arith.addi %mul3A_228, %add3A_318 : i32
        %swap3A_320 = arith.index_cast %add3A_319 : i32 to index
        %swap3A_321 = tpu.vector_load %arg9[%swap3A_320] {strides = array<i32>} : memref<4096xf32, #tpu.memory_space<vmem>>, vector<16xf32>,
        tpu.vector_store %arg9[%swap3A_320], %gather3A_294 {strides = array<i32>} : memref<4096xf32, #tpu.memory_space<vmem>>, vector<16xf32>,
        %add3A_322 = arith.constant 64 : i32
        %add3A_323 = arith.addi %mul3A_228, %add3A_322 : i32
        %swap3A_324 = arith.index_cast %add3A_323 : i32 to index
        %swap3A_325 = tpu.vector_load %arg9[%swap3A_324] {strides = array<i32>} : memref<4096xf32, #tpu.memory_space<vmem>>, vector<16xf32>,
        tpu.vector_store %arg9[%swap3A_324], %gather3A_295 {strides = array<i32>} : memref<4096xf32, #tpu.memory_space<vmem>>, vector<16xf32>,
        %add3A_326 = arith.constant 80 : i32
        %add3A_327 = arith.addi %mul3A_228, %add3A_326 : i32
        %swap3A_328 = arith.index_cast %add3A_327 : i32 to index
        %swap3A_329 = tpu.vector_load %arg9[%swap3A_328] {strides = array<i32>} : memref<4096xf32, #tpu.memory_space<vmem>>, vector<16xf32>,
        tpu.vector_store %arg9[%swap3A_328], %gather3A_296 {strides = array<i32>} : memref<4096xf32, #tpu.memory_space<vmem>>, vector<16xf32>,
        %add3A_330 = arith.constant 96 : i32
        %add3A_331 = arith.addi %mul3A_228, %add3A_330 : i32
        %swap3A_332 = arith.index_cast %add3A_331 : i32 to index
        %swap3A_333 = tpu.vector_load %arg9[%swap3A_332] {strides = array<i32>} : memref<4096xf32, #tpu.memory_space<vmem>>, vector<16xf32>,
        tpu.vector_store %arg9[%swap3A_332], %gather3A_297 {strides = array<i32>} : memref<4096xf32, #tpu.memory_space<vmem>>, vector<16xf32>,
        %add3A_334 = arith.constant 112 : i32
        %add3A_335 = arith.addi %mul3A_228, %add3A_334 : i32
        %swap3A_336 = arith.index_cast %add3A_335 : i32 to index
        %swap3A_337 = tpu.vector_load %arg9[%swap3A_336] {strides = array<i32>} : memref<4096xf32, #tpu.memory_space<vmem>>, vector<16xf32>,
        tpu.vector_store %arg9[%swap3A_336], %gather3A_298 {strides = array<i32>} : memref<4096xf32, #tpu.memory_space<vmem>>, vector<16xf32>,
        %add3A_338 = arith.constant 128 : i32
        %add3A_339 = arith.addi %mul3A_228, %add3A_338 : i32
        %swap3A_340 = arith.index_cast %add3A_339 : i32 to index
        %swap3A_341 = tpu.vector_load %arg9[%swap3A_340] {strides = array<i32>} : memref<4096xf32, #tpu.memory_space<vmem>>, vector<16xf32>,
        tpu.vector_store %arg9[%swap3A_340], %gather3A_299 {strides = array<i32>} : memref<4096xf32, #tpu.memory_space<vmem>>, vector<16xf32>,
        %add3A_342 = arith.constant 144 : i32
        %add3A_343 = arith.addi %mul3A_228, %add3A_342 : i32
        %swap3A_344 = arith.index_cast %add3A_343 : i32 to index
        %swap3A_345 = tpu.vector_load %arg9[%swap3A_344] {strides = array<i32>} : memref<4096xf32, #tpu.memory_space<vmem>>, vector<16xf32>,
        tpu.vector_store %arg9[%swap3A_344], %gather3A_300 {strides = array<i32>} : memref<4096xf32, #tpu.memory_space<vmem>>, vector<16xf32>,
        %add3A_346 = arith.constant 160 : i32
        %add3A_347 = arith.addi %mul3A_228, %add3A_346 : i32
        %swap3A_348 = arith.index_cast %add3A_347 : i32 to index
        %swap3A_349 = tpu.vector_load %arg9[%swap3A_348] {strides = array<i32>} : memref<4096xf32, #tpu.memory_space<vmem>>, vector<16xf32>,
        tpu.vector_store %arg9[%swap3A_348], %gather3A_301 {strides = array<i32>} : memref<4096xf32, #tpu.memory_space<vmem>>, vector<16xf32>,
        %add3A_350 = arith.constant 176 : i32
        %add3A_351 = arith.addi %mul3A_228, %add3A_350 : i32
        %swap3A_352 = arith.index_cast %add3A_351 : i32 to index
        %swap3A_353 = tpu.vector_load %arg9[%swap3A_352] {strides = array<i32>} : memref<4096xf32, #tpu.memory_space<vmem>>, vector<16xf32>,
        tpu.vector_store %arg9[%swap3A_352], %gather3A_302 {strides = array<i32>} : memref<4096xf32, #tpu.memory_space<vmem>>, vector<16xf32>,
        %add3A_354 = arith.constant 192 : i32
        %add3A_355 = arith.addi %mul3A_228, %add3A_354 : i32
        %swap3A_356 = arith.index_cast %add3A_355 : i32 to index
        %swap3A_357 = tpu.vector_load %arg9[%swap3A_356] {strides = array<i32>} : memref<4096xf32, #tpu.memory_space<vmem>>, vector<16xf32>,
        tpu.vector_store %arg9[%swap3A_356], %gather3A_303 {strides = array<i32>} : memref<4096xf32, #tpu.memory_space<vmem>>, vector<16xf32>,
        %add3A_358 = arith.constant 208 : i32
        %add3A_359 = arith.addi %mul3A_228, %add3A_358 : i32
        %swap3A_360 = arith.index_cast %add3A_359 : i32 to index
        %swap3A_361 = tpu.vector_load %arg9[%swap3A_360] {strides = array<i32>} : memref<4096xf32, #tpu.memory_space<vmem>>, vector<16xf32>,
        tpu.vector_store %arg9[%swap3A_360], %gather3A_304 {strides = array<i32>} : memref<4096xf32, #tpu.memory_space<vmem>>, vector<16xf32>,
        %add3A_362 = arith.constant 224 : i32
        %add3A_363 = arith.addi %mul3A_228, %add3A_362 : i32
        %swap3A_364 = arith.index_cast %add3A_363 : i32 to index
        %swap3A_365 = tpu.vector_load %arg9[%swap3A_364] {strides = array<i32>} : memref<4096xf32, #tpu.memory_space<vmem>>, vector<16xf32>,
        tpu.vector_store %arg9[%swap3A_364], %gather3A_305 {strides = array<i32>} : memref<4096xf32, #tpu.memory_space<vmem>>, vector<16xf32>,
        %add3A_366 = arith.constant 240 : i32
        %add3A_367 = arith.addi %mul3A_228, %add3A_366 : i32
        %swap3A_368 = arith.index_cast %add3A_367 : i32 to index
        %swap3A_369 = tpu.vector_load %arg9[%swap3A_368] {strides = array<i32>} : memref<4096xf32, #tpu.memory_space<vmem>>, vector<16xf32>,
        tpu.vector_store %arg9[%swap3A_368], %gather3A_306 {strides = array<i32>} : memref<4096xf32, #tpu.memory_space<vmem>>, vector<16xf32>,
      }
      %scan3A_214 = arith.constant 16 : i32
      %lt3A_215 = arith.constant 25 : i32
      %lt3A_216 = arith.cmpi slt, %scan3A_46, %lt3A_215 : i32
      %convert_element_type3A_217 = arith.extui %lt3A_216 : i1 to i32
      %cond3A_218 = arith.constant 0 : i32
      %cond3A_219 = arith.cmpi ne, %convert_element_type3A_217, %cond3A_218 : i32
      scf.if %cond3A_219 {
        %add3A_226 = arith.constant 1 : i32
        %add3A_227 = arith.addi %add3A_47, %add3A_226 : i32
        %dma_start3A_228 = arith.constant 0 : i32
        %dma_start3A_229 = tpu.memref_slice %arg2[%add3A_227, %dma_start3A_228] : memref<832x100000xf32, #tpu.memory_space<hbm>> -> memref<1x100000xf32, #tpu.memory_space<hbm>>
        %dma_start3A_230 = tpu.memref_squeeze %dma_start3A_229 : memref<1x100000xf32, #tpu.memory_space<hbm>> -> memref<100000xf32, #tpu.memory_space<hbm>>
        %dma_start3A_231 = arith.constant 0 : i32
        %dma_start3A_232 = tpu.memref_slice %arg2[%add3A_227, %dma_start3A_231] : memref<832x100000xf32, #tpu.memory_space<hbm>> -> memref<1x100000xf32, #tpu.memory_space<hbm>>
        %dma_start3A_233 = tpu.memref_squeeze %dma_start3A_232 : memref<1x100000xf32, #tpu.memory_space<hbm>> -> memref<100000xf32, #tpu.memory_space<hbm>>
        tpu.enqueue_dma source(%dma_start3A_233 : memref<100000xf32, #tpu.memory_space<hbm>>) target(%arg5 : memref<100000xf32, #tpu.memory_space<vmem>>) target_semaphore(%arg10 : memref<!tpu.dma_semaphore, #tpu.memory_space<semaphore_mem>>)
      } else {
      }
      %dma_start3A_220 = arith.constant 12288 : i32
      %dma_start3A_221 = tpu.memref_slice %arg4[%add3A_47, %dma_start3A_220] : memref<832x16384xf32, #tpu.memory_space<hbm>> -> memref<1x4096xf32, #tpu.memory_space<hbm>>
      %dma_start3A_222 = tpu.memref_squeeze %dma_start3A_221 : memref<1x4096xf32, #tpu.memory_space<hbm>> -> memref<4096xf32, #tpu.memory_space<hbm>>
      %dma_start3A_223 = arith.constant 12288 : i32
      %dma_start3A_224 = tpu.memref_slice %arg4[%add3A_47, %dma_start3A_223] : memref<832x16384xf32, #tpu.memory_space<hbm>> -> memref<1x4096xf32, #tpu.memory_space<hbm>>
      %dma_start3A_225 = tpu.memref_squeeze %dma_start3A_224 : memref<1x4096xf32, #tpu.memory_space<hbm>> -> memref<4096xf32, #tpu.memory_space<hbm>>
      tpu.enqueue_dma source(%arg9 : memref<4096xf32, #tpu.memory_space<vmem>>) target(%dma_start3A_225 : memref<4096xf32, #tpu.memory_space<hbm>>) target_semaphore(%arg14 : memref<!tpu.dma_semaphore, #tpu.memory_space<semaphore_mem>>)
    }
    %scan3A_34 = arith.constant 26 : i32
    %dma_wait3A = arith.constant 0 : i32
    %dma_wait3A_35 = tpu.memref_slice %arg4[%mul3A_2, %dma_wait3A] : memref<832x16384xf32, #tpu.memory_space<hbm>> -> memref<1x4096xf32, #tpu.memory_space<hbm>>
    %dma_wait3A_36 = tpu.memref_squeeze %dma_wait3A_35 : memref<1x4096xf32, #tpu.memory_space<hbm>> -> memref<4096xf32, #tpu.memory_space<hbm>>
    %dma_wait3A_37 = arith.constant 0 : i32
    %dma_wait3A_38 = tpu.memref_slice %arg4[%mul3A_2, %dma_wait3A_37] : memref<832x16384xf32, #tpu.memory_space<hbm>> -> memref<1x4096xf32, #tpu.memory_space<hbm>>
    %dma_wait3A_39 = tpu.memref_squeeze %dma_wait3A_38 : memref<1x4096xf32, #tpu.memory_space<hbm>> -> memref<4096xf32, #tpu.memory_space<hbm>>
    tpu.wait_dma2 semaphore(%arg14 : memref<!tpu.dma_semaphore, #tpu.memory_space<semaphore_mem>>) src(%arg8 : memref<4096xf32, #tpu.memory_space<vmem>>) dst(%dma_wait3A_39 : memref<4096xf32, #tpu.memory_space<hbm>>)
    %dma_wait3A_40 = arith.constant 0 : i32
    %dma_wait3A_41 = tpu.memref_slice %arg4[%mul3A_2, %dma_wait3A_40] : memref<832x16384xf32, #tpu.memory_space<hbm>> -> memref<1x4096xf32, #tpu.memory_space<hbm>>
    %dma_wait3A_42 = tpu.memref_squeeze %dma_wait3A_41 : memref<1x4096xf32, #tpu.memory_space<hbm>> -> memref<4096xf32, #tpu.memory_space<hbm>>
    %dma_wait3A_43 = arith.constant 0 : i32
    %dma_wait3A_44 = tpu.memref_slice %arg4[%mul3A_2, %dma_wait3A_43] : memref<832x16384xf32, #tpu.memory_space<hbm>> -> memref<1x4096xf32, #tpu.memory_space<hbm>>
    %dma_wait3A_45 = tpu.memref_squeeze %dma_wait3A_44 : memref<1x4096xf32, #tpu.memory_space<hbm>> -> memref<4096xf32, #tpu.memory_space<hbm>>
    tpu.wait_dma2 semaphore(%arg14 : memref<!tpu.dma_semaphore, #tpu.memory_space<semaphore_mem>>) src(%arg9 : memref<4096xf32, #tpu.memory_space<vmem>>) dst(%dma_wait3A_45 : memref<4096xf32, #tpu.memory_space<hbm>>)
    return
  }
}

</mosaic_0001>

<sc_bundles>
// kernel: kernel.3.cloned.1.call-start
scs
__scs_entry_jumppad:
0x0: {  	(pc) =	sbr.rel $0x88, $3  }
0x1: {  	(tag) =	ssettag $0x0;
	lr =	simm.s32 $0x1  }
0x2: {  	[smem:$0x3F9F] =	sst lr;
	_ =	strace $0xD0000000  }
0x3: {  	_ = 	snop  }
0x4: {  	_ = 	snop  }
0x5: {  	_ = 	snop  }
0x6: {  	_ = 	snop  }
0x7: {  	_ = 	snop  }
__scs_overlays_trampoline_lowered:
0x8: {  	[smem:$0x3FAE] =	sst s0  }
0x9: {  	[smem:$0x3FAF] =	sst s1  }
0xa: {  	[smem:$0x3FB0] =	sst s2  }
0xb: {  	[smem:$0x3FB1] =	sst s3  }
0xc: {  	[smem:$0x3FB2] =	sst s4  }
0xd: {  	[smem:$0x3FB3] =	sst s5  }
0xe: {  	[smem:$0x3FB4] =	sst s6  }
0xf: {  	[smem:$0x3FB5] =	sst s7  }
0x10: {  	[smem:$0x3FB6] =	sst s8  }
0x11: {  	[smem:$0x3FB7] =	sst s9;
	s0 =	simm.s32 @!p0 $0x0  }
0x12: {  	s1 =	sld [smem:$0x3F9D];
	s0 =	simm.s32 @p0 $0x1  }
0x13: {  	[smem:$0x3FB8] =	sst s0;
	s0 =	simm.s32 @!p1 $0x0  }
0x14: {  	s2 =	sld [smem:$0x3F9C];
	s0 =	simm.s32 @p1 $0x1  }
0x15: {  	[smem:$0x3FB9] =	sst s0;
	s0 =	simm.s32 @!p2 $0x0  }
0x16: {  	s3 =	sld [smem:$0x3FDB];
	s0 =	simm.s32 @p2 $0x1  }
0x17: {  	s4 =	simm.s32 $0x1BF5;
	[smem:$0x3FBB] =	sst s0  }
0x18: {  	s0 =	sld [smem:$0x3F9E];
	_ =	swait.ge [sflag:s4], $0x0  }
0x19: {  	s7 =	sld [smem:$0x3F9F]  }
0x1a: {  	s8 =	sadd.s32 $0xFFFFE003, lr  }
0x1b: {  	s9 =	sadd.s32 $0xFFFFFEF7, lr;
	s5 =	simm.s32 $0xFFFFFFFF;
	p2 =	slt.u32 s8, $0xFFFFF086  }
0x1c: {  	p1 =	slt.u32 s9, $0xF7A;
	s5 =	simm.s32 @!p2 $0x0  }
0x1d: {  	s5 =	simm.s32 @p1 $0x1;
	p0 =	seq.s32 s7, s2  }
0x1e: {  	s7 =	smul.u32 @!p0 $0xF7A, s2;
	p2 =	seq.s32 @!p0 s5, $0x0  }
0x1f: {  	s9 =	smul.u32 $0xF7A, s1;
	s8 =	simm.s32 @!p0 $0x1BF5;
	p2 =	por !p2, p0  }
0x20: {  	[sflag:s8] =	ssyncset.s32 @!p0 $0xFFFFF086;
	s6 =	sadd.s32 @!p0 s3, s7;
	s7 =	simm.s32 @!p0 $0x108  }
0x21: {  	s3 =	sadd.s32 s3, s9;
	s6 =	sadd.s32 @!p0 $0x88, s6;
	s7 =	simm.s32 @p2 $0x1082  }
0x22: {  	[simem:s7], [sflag:s8] =	dma.local @!p0 [hbm:s6], $0xF7A  }
0x23: {  	s9 =	sor.u32 $0xD0000000, s2;
	s6 =	simm.s32 $0x108;
	_ =	swait.ge @!p0 [sflag:s8], $0x0  }
0x24: {  	s3 =	sadd.s32 $0x88, s3;
	s6 =	simm.s32 @!p1 $0x1082;
	[sflag:s4] =	ssyncset.s32 $0xFFFFF086  }
0x25: {  	[simem:s6], [sflag:s4] =	dma.local [hbm:s3], $0xF7A  }
0x26: {  	[smem:$0x3F9F] =	sst s1;
	(tag) =	ssettag s2;
	_ =	strace s9  }
0x27: {  	s1 =	sld [smem:$0x3FAF]  }
0x28: {  	s2 =	sld [smem:$0x3FB0]  }
0x29: {  	s4 =	sld [smem:$0x3FB2]  }
0x2a: {  	p0 =	seq.s32 s5, $0x0;
	s5 =	sld [smem:$0x3FB3]  }
0x2b: {  	s6 =	sld [smem:$0x3FB4]  }
0x2c: {  	s7 =	sld [smem:$0x3FB5]  }
0x2d: {  	s3 =	simm.s32 $0x108;
	s8 =	sld [smem:$0x3FB6]  }
0x2e: {  	s3 =	simm.s32 @!p0 $0x1082;
	s9 =	sld [smem:$0x3FB7]  }
0x2f: {  	lr =	sadd.s32 s0, s3;
	s0 =	sld [smem:$0x3FAE]  }
0x30: {  	s3 =	sld [smem:$0x3FB1]  }
0x31: {  	[smem:$0x3FBA] =	sst s10  }
0x32: {  	s10 =	sld [smem:$0x3FB8];
	_ =	sdelay $0x3  }
0x33: {  	p0 =	seq.s32 s10, $0x1;
	s10 =	sld [smem:$0x3FBA];
	_ =	sdelay $0x3  }
0x34: {  	[smem:$0x3FBA] =	sst s10  }
0x35: {  	s10 =	sld [smem:$0x3FB9];
	_ =	sdelay $0x3  }
0x36: {  	p1 =	seq.s32 s10, $0x1;
	s10 =	sld [smem:$0x3FBA];
	_ =	sdelay $0x3  }
0x37: {  	[smem:$0x3FBA] =	sst s10  }
0x38: {  	s10 =	sld [smem:$0x3FBB]  }
0x39: {  	_ = 	snop;
	(pc) =	sbr.ind lr, $3  }
0x3a: {  	_ = 	snop  }
0x3b: {  	_ = 	snop  }
0x3c: {  	p2 =	seq.s32 s10, $0x1;
	s10 =	sld [smem:$0x3FBA]  }
0x3d: {  	_ =	shalt  }
0x3e: {  	_ =	shalt  }
0x3f: {  	_ =	shalt  }
0x40: {  	_ =	shalt  }
0x41: {  	_ =	shalt  }
0x42: {  	_ =	shalt  }
0x43: {  	_ =	shalt  }
0x44: {  	_ =	shalt  }
0x45: {  	_ =	shalt  }
0x46: {  	_ =	shalt  }
0x47: {  	_ =	shalt  }
0x48: {  	_ =	shalt  }
0x49: {  	_ =	shalt  }
0x4a: {  	_ =	shalt  }
0x4b: {  	_ =	shalt  }
0x4c: {  	_ =	shalt  }
0x4d: {  	_ =	shalt  }
0x4e: {  	_ =	shalt  }
0x4f: {  	_ =	shalt  }
0x50: {  	_ =	shalt  }
0x51: {  	_ =	shalt  }
0x52: {  	_ =	shalt  }
0x53: {  	_ =	shalt  }
0x54: {  	_ =	shalt  }
0x55: {  	_ =	shalt  }
0x56: {  	_ =	shalt  }
0x57: {  	_ =	shalt  }
0x58: {  	_ =	shalt  }
0x59: {  	_ =	shalt  }
0x5a: {  	_ =	shalt  }
0x5b: {  	_ =	shalt  }
0x5c: {  	_ =	shalt  }
0x5d: {  	_ =	shalt  }
0x5e: {  	_ =	shalt  }
0x5f: {  	_ =	shalt  }
0x60: {  	_ =	shalt  }
0x61: {  	_ =	shalt  }
0x62: {  	_ =	shalt  }
0x63: {  	_ =	shalt  }
0x64: {  	_ =	shalt  }
0x65: {  	_ =	shalt  }
0x66: {  	_ =	shalt  }
0x67: {  	_ =	shalt  }
0x68: {  	_ =	shalt  }
0x69: {  	_ =	shalt  }
0x6a: {  	_ =	shalt  }
0x6b: {  	_ =	shalt  }
0x6c: {  	_ =	shalt  }
0x6d: {  	_ =	shalt  }
0x6e: {  	_ =	shalt  }
0x6f: {  	_ =	shalt  }
0x70: {  	_ =	shalt  }
0x71: {  	_ =	shalt  }
0x72: {  	_ =	shalt  }
0x73: {  	_ =	shalt  }
0x74: {  	_ =	shalt  }
0x75: {  	_ =	shalt  }
0x76: {  	_ =	shalt  }
0x77: {  	_ =	shalt  }
0x78: {  	_ =	shalt  }
0x79: {  	_ =	shalt  }
0x7a: {  	_ =	shalt  }
0x7b: {  	_ =	shalt  }
0x7c: {  	_ =	shalt  }
0x7d: {  	_ =	shalt  }
0x7e: {  	_ =	shalt  }
0x7f: {  	_ =	shalt  }
0x80: {  	_ =	shalt  }
0x81: {  	_ =	shalt  }
0x82: {  	_ =	shalt  }
0x83: {  	_ =	shalt  }
0x84: {  	_ =	shalt  }
0x85: {  	_ =	shalt  }
0x86: {  	_ =	shalt  }
0x87: {  	_ =	shalt  }
.Lfunc_end0:
.L_simem_size_0:
called_computation_lowered:
.L_overlay_start_0:
0x88: {  	s2 =	sld [smem:$0x3FD9]  }
0x89: {  	s3 =	sld [smem:$0x3FFE];
	_ =	sdelay $0x1  }
0x8a: {  	s1 =	srdreg.scid  }
0x8b: {  	s0 =	sand.u32 $0x1, s1  }
0x8c: {  	s18 =	sshll.u32 s0, $0xA;
	s2 =	sadd.s32 s3, s2  }
0x8d: {  	s2 =	sadd.s32 s2, s18  }
0x8e: {  	[smem:$0x3FC6] =	sst s2  }
0x8f: {  	_ = 	snop  }
0x90: {  	s2 =	sld [smem:$0x3FC9]  }
0x91: {  	s19 =	sld [smem:$0x3FC8]  }
0x92: {  	s4 =	sld [smem:$0x3FD0];
	(tm) =	ssettm $0x1  }
0x93: {  	s5 =	sld [smem:$0x3FFB];
	_ =	sdelay $0x3  }
0x94: {  	_ =	strace s5  }
0x95: {  	s5 =	sld [smem:$0x3FFC];
	_ =	sdelay $0x3  }
0x96: {  	_ =	strace s5  }
0x97: {  	s5 =	sld [smem:$0x3FFD];
	_ =	sdelay $0x3  }
0x98: {  	_ =	strace s5  }
0x99: {  	_ =	strace $0x8FFFFFFF  }
0x9a: {  	s20 =	sld [smem:$0x3FDB];
	_ =	sdelay $0x1  }
0x9b: {  	s6 =	simm.s32 $_scs_section_size  }
0x9c: {  	s7 =	simm.s32 $_size__tile_overlayer_lowered;
	s8 =	simm.s32 $_tile_overlayer_lowered  }
0x9d: {  	s23 =	simm.s32 $0x1BFF;
	s22 =	sshll.u32 s8, $0x1;
	s5 =	sadd.s32 s6, s20  }
0x9e: {  	s9 =	simm.s32 $0x0;
	s21 =	sshll.u32 s7, $0x1;
	s7 =	sadd.s32 s22, s5  }
0x9f: {  	[timem:s9], [sflag:s23] =	dma.local [hbm:s7], s21  }
0xa0: {  	_ =	swait.ge [sflag:s23], s21  }
0xa1: {  	s6 =	ssub.s32 $0x0, s21;
	[sflag:s23] =	ssyncset.done $0x0  }
0xa2: {  	[sflag:s23] =	ssyncadd.s32 s6;
	_ =	sdelay $0x1  }
0xa3: {  	s24 =	simm.s32 $0x1B8B  }
0xa4: {  	_ =	swait.ge [sflag:s24], $0x1  }
0xa5: {  	[sflag:s24] =	ssyncset.done $0x0  }
0xa6: {  	s25 =	simm.s32 $0x1B8E;
	[sflag:s24] =	ssyncadd.s32 $0xFFFFFFFF  }
0xa7: {  	s26 =	simm.s32 $execute0_lowered;
	[smem:$0x3FD2] =	sst s25  }
0xa8: {  	s6 =	sshll.u32 s26, $0x1;
	_ =	strace $0x80000046;
	[dreg:$0x1] =	wrdreg $0xFFFFFFFF  }
0xa9: {  	s28 =	simm.s32 $_size_execute0_lowered;
	s5 =	sadd.s32 s5, s6;
	[dreg:$0x0] =	wrdreg $0x0  }
0xaa: {  	s6 =	sshll.u32 s28, $0x1;
	[dreg:$0x2] =	wrdreg s5  }
0xab: {  	[dreg:$0x3] =	wrdreg s6  }
0xac: {  	[dreg:$0x4] =	wrdreg $0xC0  }
0xad: {  	_ =	task [dreg:s9], $0x5FFFF  }
0xae: {  	[dreg:$0x1] =	wrdreg $0xFFFFFFFF  }
0xaf: {  	[dreg:$0x0] =	wrdreg $0x60  }
0xb0: {  	[dreg:$0x2] =	wrdreg s19  }
0xb1: {  	[dreg:$0x3] =	wrdreg s2  }
0xb2: {  	[dreg:$0x4] =	wrdreg s4  }
0xb3: {  	[dreg:$0x5] =	wrdreg $0x9  }
0xb4: {  	_ =	task.clear_ibuf [dreg:s9], $0x6FFFF;
	_ =	strace $0x90000046  }
0xb5: {  	s29 =	simm.s32 $0x9;
	_ =	strace $0x80000048  }
0xb6: {  	_ =	swait.ge [sflag:s29], $0x1  }
0xb7: {  	[sflag:s29] =	ssyncadd.s32 $0xFFFFFFFF  }
0xb8: {  	_ =	strace $0x90000048  }
0xb9: {  	_ =	sfence  }
0xba: {  	s30 =	sld [smem:$0x0];
	_ =	sdelay $0x2  }
0xbb: {  	s31 =	sshll.u32 s1, $0xD;
	s1 =	sshrl.u32 s1, $0x2  }
0xbc: {  	s3 =	sand.u32 $0x4000, s31;
	s1 =	sadd.s32 s1, s30  }
0xbd: {  	s0 =	sor.u32 s3, s0;
	s1 =	sshll.u32 s1, $0x11  }
0xbe: {  	s0 =	sor.u32 s1, s0  }
0xbf: {  	s0 =	sadd.s32 $0x8F2B, s0  }
0xc0: {  	[sflag:s0] =	ssyncadd.remote.s32 $0x1  }
0xc1: {  	_ =	sfence.sel $0xFFFF  }
0xc2: {  	[dreg:$0x0] =	wrdreg $0xFFFFFFFF;
	(pc) =	sbr.abs _section_cstart, $3  }
0xc3: {  	[dreg:$0x1] =	wrdreg $0xFFFFFFFF  }
0xc4: {  	_ =	task.clear_ibuf [dreg:s9], $0x2FFFF;
	_ =	strace $0x9FFFFFFF  }
0xc5: {  	(tm) =	ssettm $0x7FFFFFFF  }
tec
execute0_lowered:
.L_overlay_start_1:
0x0: {  	(tag) =	ssettag $0x1  }
0x1: {  	s1 =	rddreg [dreg:$0x0];
	s0 =	srdreg.scid  }
0x2: {  	s2 =	stileid.u32;
	s3 =	rddreg [dreg:$0x1]  }
0x3: {  	s4 =	rddreg [dreg:$0x2];
	s5 =	simm.s32 $0x0;
	s16 =	simm.s32 $0x80  }
0x4: {  	s17 =	simm.s32 $0x400;
	s18 =	simm.s32 $0x18700;
	s19 =	simm.s32 $0x1  }
0x5: {  	s20 =	simm.s32 $0x19700;
	s21 =	simm.s32 $0x2;
	s22 =	simm.s32 $0x1A700  }
0x6: {  	s23 =	simm.s32 $0x3;
	s24 =	simm.s32 $0x1B700;
	s25 =	simm.s32 $0x4  }
0x7: {  	s26 =	simm.s32 $0x0;
	s0 =	sand.u32 $0x1, s0;
	s2 =	sshll.u32 s2, $0x1  }
0x8: {  	[smem:$0x7FF] =	sst s5;
	s10 =	sadd.s32 $0x2000, s3;
	s2 =	sor.u32 s0, s2  }
0x9: {  	s11 =	sadd.s32 $0x1000, s4;
	s12 =	sadd.s32 $0x3000, s3;
	s6 =	smul.u32 $0x1A, s2  }
0xa: {  	_ =	strace $0x80000047;
	s0 =	ssub.s32 $0x2, s0;
	s2 =	sshll.u32 s2, $0x8  }
0xb: {  	s8 =	sshrl.u32 s0, $0x1;
	s2 =	sand.u32 $0x300, s2;
	s7 =	sshrl.u32 s6, $0x3  }
0xc: {  	s0 =	ssub.s32 s0, s8;
	s9 =	sshrl.u32 s6, $0x1;
	s7 =	smul.u32 $0xC3800, s7  }
0xd: {  	s30 =	sshll.u32 s6, $0x6;
	s0 =	smax.u32 s0, $0x1;
	s9 =	sand.u32 $0x70, s9  }
0xe: {  	s9 =	sadd.s32 s3, s9;
	s2 =	sor.u32 s2, s7;
	s7 =	sand.u32 $0xC000, s30  }
0xf: {  	[dreg:$0x6] =	wrdreg s0;
	s2 =	sshrl.u32 s2, $0x3;
	s31 =	sadd.s32 s7, s9  }
0x10: {  	s13 =	sadd.s32 $0x2000, s4;
	s2 =	sadd.s32 s1, s2;
	[dreg:$0x5] =	wrdreg s31  }
0x11: {  	s14 =	sadd.s32 $0x3000, s4;
	s9 =	sadd.s32 $0x1000, s3;
	[dreg:$0x4] =	wrdreg s2  }
.LBB2_1:
0x12: {  	s0 =	rddreg [dreg:$0x4]  }
0x13: {  	[tilespmem:s5], [sflag:$0x1] =	stream.strided.gather [hbm4b:s0+s16], $0x18700, s17, s16, $0x38;
	[tilespmem:$0x1C700] =	vst v63  }
0x14: {  	s31 =	rddreg [dreg:$0x5];
	s28 =	simm.s32 $0x0  }
0x15: {  	[tilespmem:s18], [sflag:$0x2] =	stream.strided.gather [hbm4b:s31+s16], $0x1000, s17, s16, $0x38;
	[tilespmem:$0x1C700] =	vst v63  }
.LBB2_2:
0x16: {  	s30 =	sadd.s32 s6, s28  }
0x17: {  	s0 =	sshll.u32 s30, $0x6;
	s2 =	sshrl.u32 s30, $0x1  }
0x18: {  	_ =	swait.ge [sflag:s19], $0x18700;
	s0 =	sand.u32 $0xFFFC000, s0;
	s2 =	sand.u32 $0x70, s2  }
0x19: {  	[sflag:s19] =	ssyncset.done $0x0;
	s2 =	sor.u32 s2, s0  }
0x1a: {  	[sflag:s19] =	ssyncadd.s32 $0xFFFE7900;
	s0 =	sadd.s32 s2, s9  }
0x1b: {  	[tilespmem:s20], [sflag:$0x3] =	stream.strided.gather [hbm4b:s0+s16], $0x1000, s17, s16, $0x38;
	[tilespmem:$0x1C700] =	vst v63  }
0x1c: {  	_ =	swait.ge [sflag:s21], $0x1000  }
0x1d: {  	p0 =	seq.s32 s28, $0x0;
	[sflag:s21] =	ssyncset.done $0x0  }
0x1e: {  	s0 =	simm.s32 @!p0 $0x4;
	[sflag:s21] =	ssyncadd.s32 $0xFFFFF000  }
0x1f: {  	_ =	swait.ge @!p0 [sflag:s0], $0x1000  }
0x20: {  	[sflag:s0] =	ssyncset.done @!p0 $0x0  }
0x21: {  	[sflag:s0] =	ssyncadd.s32 @!p0 $0xFFFFF000;
	s0 =	simm.s32 $0x0  }
0x22: {  	v14 =	vld [tilespmem:s0+$0x18700]  }
0x23: {  	v0 =	vld [tilespmem:s0+$0x18710]  }
0x24: {  	v1 =	vld [tilespmem:s0+$0x18720]  }
0x25: {  	v2 =	vld [tilespmem:s0+$0x18730]  }
0x26: {  	v3 =	vld [tilespmem:s0+$0x18740]  }
0x27: {  	v4 =	vld [tilespmem:s0+$0x18750]  }
0x28: {  	v5 =	vld [tilespmem:s0+$0x18760]  }
0x29: {  	v7 =	vld [tilespmem:s0+$0x18770]  }
0x2a: {  	v9 =	vld [tilespmem:s0+$0x18780]  }
0x2b: {  	v6 =	vld [tilespmem:s0+$0x18790]  }
0x2c: {  	v8 =	vld [tilespmem:s0+$0x187A0]  }
0x2d: {  	v10 =	vld [tilespmem:s0+$0x187B0]  }
0x2e: {  	v11 =	vld [tilespmem:s0+$0x187C0]  }
0x2f: {  	v12 =	vld [tilespmem:s0+$0x187D0]  }
0x30: {  	v13 =	vld [tilespmem:s0+$0x187E0]  }
0x31: {  	s29 =	sadd.s32 $0x1, s30;
	s7 =	sshll.u32 s30, $0x4;
	v15 =	vld [tilespmem:s0+$0x187F0]  }
0x32: {  	s8 =	simm.s32 $0x400;
	s31 =	sshrl.u32 s29, $0x5;
	s7 =	sand.u32 $0x70, s7;
	v14 =	vld.idx.msk [tilespmem:v14+s5+$0x0], $0xffff  }
.LBB2_3:
0x33: {  	p1 =	sne.s32 s8, $0x3C00;
	v16 =	vld.idx.msk [tilespmem:v0+s5+$0x0], $0xffff  }
0x34: {  	v17 =	vld.idx.msk [tilespmem:v1+s5+$0x0], $0xffff  }
0x35: {  	v18 =	vld.idx.msk [tilespmem:v2+s5+$0x0], $0xffff  }
0x36: {  	v19 =	vld.idx.msk [tilespmem:v3+s5+$0x0], $0xffff  }
0x37: {  	v20 =	vld.idx.msk [tilespmem:v4+s5+$0x0], $0xffff  }
0x38: {  	v21 =	vld.idx.msk [tilespmem:v5+s5+$0x0], $0xffff  }
0x39: {  	v22 =	vld.idx.msk [tilespmem:v7+s5+$0x0], $0xffff  }
0x3a: {  	v23 =	vld.idx.msk [tilespmem:v9+s5+$0x0], $0xffff  }
0x3b: {  	v0 =	vld.idx.msk [tilespmem:v15+s5+$0x0], $0xffff  }
0x3c: {  	v15 =	vld.idx.msk [tilespmem:v6+s5+$0x0], $0xffff  }
0x3d: {  	v24 =	vld.idx.msk [tilespmem:v8+s5+$0x0], $0xffff  }
0x3e: {  	v25 =	vld.idx.msk [tilespmem:v10+s5+$0x0], $0xffff  }
0x3f: {  	v26 =	vld.idx.msk [tilespmem:v11+s5+$0x0], $0xffff  }
0x40: {  	v27 =	vld.idx.msk [tilespmem:v12+s5+$0x0], $0xffff  }
0x41: {  	s15 =	sshra.s32 s8, $0x2;
	v28 =	vld.idx.msk [tilespmem:v13+s5+$0x0], $0xffff;
	[tilespmem:s0+$0x1A7F0] =	vst v0  }
0x42: {  	v29 =	vld [tilespmem:s15+$0x18700];
	[tilespmem:s0+$0x1A700] =	vst v14  }
0x43: {  	v0 =	vld [tilespmem:s15+$0x18710];
	[tilespmem:s0+$0x1A710] =	vst v16  }
0x44: {  	v1 =	vld [tilespmem:s15+$0x18720];
	[tilespmem:s0+$0x1A720] =	vst v17  }
0x45: {  	v2 =	vld [tilespmem:s15+$0x18730];
	[tilespmem:s0+$0x1A730] =	vst v18  }
0x46: {  	v3 =	vld [tilespmem:s15+$0x18740];
	[tilespmem:s0+$0x1A740] =	vst v19  }
0x47: {  	v4 =	vld [tilespmem:s15+$0x18750];
	[tilespmem:s0+$0x1A750] =	vst v20  }
0x48: {  	v5 =	vld [tilespmem:s15+$0x18760];
	[tilespmem:s0+$0x1A760] =	vst v21  }
0x49: {  	v7 =	vld [tilespmem:s15+$0x18770];
	[tilespmem:s0+$0x1A770] =	vst v22  }
0x4a: {  	v9 =	vld [tilespmem:s15+$0x18780];
	[tilespmem:s0+$0x1A780] =	vst v23  }
0x4b: {  	v6 =	vld [tilespmem:s15+$0x18790];
	[tilespmem:s0+$0x1A790] =	vst v15  }
0x4c: {  	v8 =	vld [tilespmem:s15+$0x187A0];
	[tilespmem:s0+$0x1A7A0] =	vst v24  }
0x4d: {  	v10 =	vld [tilespmem:s15+$0x187B0];
	[tilespmem:s0+$0x1A7B0] =	vst v25  }
.Ltmp0:
0x4e: {  	v11 =	vld [tilespmem:s15+$0x187C0];
	[tilespmem:s0+$0x1A7C0] =	vst v26;
	(pc) =	sbr.rel @p1 .LBB2_3-.Ltmp0, $4  }
0x4f: {  	v12 =	vld [tilespmem:s15+$0x187D0];
	[tilespmem:s0+$0x1A7D0] =	vst v27  }
0x50: {  	v13 =	vld [tilespmem:s15+$0x187E0];
	[tilespmem:s0+$0x1A7E0] =	vst v28;
	s0 =	smov.u32 s15  }
0x51: {  	v15 =	vld [tilespmem:s0+$0x187F0]  }
0x52: {  	s8 =	sadd.s32 $0x400, s8;
	v14 =	vld.idx.msk [tilespmem:v29+s5+$0x0], $0xffff  }
0x53: {  	_ =	sdelay $0x3  }
0x54: {  	v0 =	vld.idx.msk [tilespmem:v0+s5+$0x0], $0xffff  }
0x55: {  	v1 =	vld.idx.msk [tilespmem:v1+s5+$0x0], $0xffff  }
0x56: {  	v2 =	vld.idx.msk [tilespmem:v2+s5+$0x0], $0xffff  }
0x57: {  	v3 =	vld.idx.msk [tilespmem:v3+s5+$0x0], $0xffff  }
0x58: {  	v4 =	vld.idx.msk [tilespmem:v4+s5+$0x0], $0xffff  }
0x59: {  	v5 =	vld.idx.msk [tilespmem:v5+s5+$0x0], $0xffff  }
0x5a: {  	v7 =	vld.idx.msk [tilespmem:v7+s5+$0x0], $0xffff  }
0x5b: {  	v9 =	vld.idx.msk [tilespmem:v9+s5+$0x0], $0xffff  }
0x5c: {  	v6 =	vld.idx.msk [tilespmem:v6+s5+$0x0], $0xffff  }
0x5d: {  	v8 =	vld.idx.msk [tilespmem:v8+s5+$0x0], $0xffff  }
0x5e: {  	v10 =	vld.idx.msk [tilespmem:v10+s5+$0x0], $0xffff  }
0x5f: {  	v11 =	vld.idx.msk [tilespmem:v11+s5+$0x0], $0xffff  }
0x60: {  	v12 =	vld.idx.msk [tilespmem:v12+s5+$0x0], $0xffff  }
0x61: {  	v13 =	vld.idx.msk [tilespmem:v13+s5+$0x0], $0xffff  }
0x62: {  	v15 =	vld.idx.msk [tilespmem:v15+s5+$0x0], $0xffff;
	[tilespmem:s0+$0x1A700] =	vst v14  }
0x63: {  	[tilespmem:s0+$0x1A710] =	vst v0  }
0x64: {  	[tilespmem:s0+$0x1A720] =	vst v1  }
0x65: {  	[tilespmem:s0+$0x1A730] =	vst v2  }
0x66: {  	[tilespmem:s0+$0x1A740] =	vst v3  }
0x67: {  	[tilespmem:s0+$0x1A750] =	vst v4  }
0x68: {  	[tilespmem:s0+$0x1A760] =	vst v5  }
0x69: {  	[tilespmem:s0+$0x1A770] =	vst v7  }
0x6a: {  	[tilespmem:s0+$0x1A780] =	vst v9  }
0x6b: {  	[tilespmem:s0+$0x1A790] =	vst v6  }
0x6c: {  	[tilespmem:s0+$0x1A7A0] =	vst v8  }
0x6d: {  	[tilespmem:s0+$0x1A7B0] =	vst v10  }
0x6e: {  	s8 =	sshll.u32 s30, $0xB;
	[tilespmem:s0+$0x1A7C0] =	vst v11  }
0x6f: {  	s8 =	sand.u32 $0xFFFC000, s8;
	[tilespmem:s0+$0x1A7D0] =	vst v12  }
0x70: {  	s30 =	sor.u32 s7, s8;
	[tilespmem:s0+$0x1A7E0] =	vst v13  }
0x71: {  	s8 =	sadd.s32 s4, s30;
	[tilespmem:s0+$0x1A7F0] =	vst v15  }
0x72: {  	[hbm4b:s8+s16] =	stream.strided.scatter [tilespmem:s22], [sflag:$0x4], $0x1000, s17, s16, $0x38;
	[tilespmem:$0x1C700] =	vst v63  }
0x73: {  	s15 =	sadd.s32 s2, s10  }
0x74: {  	[tilespmem:s18], [sflag:$0x2] =	stream.strided.gather [hbm4b:s15+s16], $0x1000, s17, s16, $0x38;
	[tilespmem:$0x1C700] =	vst v63  }
0x75: {  	_ =	swait.ge [sflag:s23], $0x1000  }
0x76: {  	[sflag:s23] =	ssyncset.done $0x0  }
0x77: {  	s0 =	simm.s32 @!p0 $0x4;
	[sflag:s23] =	ssyncadd.s32 $0xFFFFF000  }
0x78: {  	_ =	swait.ge @!p0 [sflag:s0], $0x1000  }
0x79: {  	[sflag:s0] =	ssyncset.done @!p0 $0x0  }
0x7a: {  	[sflag:s0] =	ssyncadd.s32 @!p0 $0xFFFFF000;
	s0 =	simm.s32 $0x0  }
0x7b: {  	v14 =	vld [tilespmem:s0+$0x19700]  }
0x7c: {  	v0 =	vld [tilespmem:s0+$0x19710]  }
0x7d: {  	v1 =	vld [tilespmem:s0+$0x19720]  }
0x7e: {  	v2 =	vld [tilespmem:s0+$0x19730]  }
0x7f: {  	v3 =	vld [tilespmem:s0+$0x19740]  }
0x80: {  	v4 =	vld [tilespmem:s0+$0x19750]  }
0x81: {  	v5 =	vld [tilespmem:s0+$0x19760]  }
0x82: {  	v7 =	vld [tilespmem:s0+$0x19770]  }
0x83: {  	v9 =	vld [tilespmem:s0+$0x19780]  }
0x84: {  	v6 =	vld [tilespmem:s0+$0x19790]  }
0x85: {  	v8 =	vld [tilespmem:s0+$0x197A0]  }
0x86: {  	v10 =	vld [tilespmem:s0+$0x197B0]  }
0x87: {  	v11 =	vld [tilespmem:s0+$0x197C0]  }
0x88: {  	v12 =	vld [tilespmem:s0+$0x197D0]  }
0x89: {  	v13 =	vld [tilespmem:s0+$0x197E0]  }
0x8a: {  	v15 =	vld [tilespmem:s0+$0x197F0]  }
0x8b: {  	s7 =	simm.s32 $0x400;
	v14 =	vld.idx.msk [tilespmem:v14+s5+$0x0], $0xffff  }
.LBB2_5:
0x8c: {  	p0 =	sne.s32 s7, $0x3C00;
	v16 =	vld.idx.msk [tilespmem:v0+s5+$0x0], $0xffff  }
0x8d: {  	v17 =	vld.idx.msk [tilespmem:v1+s5+$0x0], $0xffff  }
0x8e: {  	v18 =	vld.idx.msk [tilespmem:v2+s5+$0x0], $0xffff  }
0x8f: {  	v19 =	vld.idx.msk [tilespmem:v3+s5+$0x0], $0xffff  }
0x90: {  	v20 =	vld.idx.msk [tilespmem:v4+s5+$0x0], $0xffff  }
0x91: {  	v21 =	vld.idx.msk [tilespmem:v5+s5+$0x0], $0xffff  }
0x92: {  	v22 =	vld.idx.msk [tilespmem:v7+s5+$0x0], $0xffff  }
0x93: {  	v23 =	vld.idx.msk [tilespmem:v9+s5+$0x0], $0xffff  }
0x94: {  	v0 =	vld.idx.msk [tilespmem:v15+s5+$0x0], $0xffff  }
0x95: {  	v15 =	vld.idx.msk [tilespmem:v6+s5+$0x0], $0xffff  }
0x96: {  	v24 =	vld.idx.msk [tilespmem:v8+s5+$0x0], $0xffff  }
0x97: {  	v25 =	vld.idx.msk [tilespmem:v10+s5+$0x0], $0xffff  }
0x98: {  	v26 =	vld.idx.msk [tilespmem:v11+s5+$0x0], $0xffff  }
0x99: {  	v27 =	vld.idx.msk [tilespmem:v12+s5+$0x0], $0xffff  }
0x9a: {  	s8 =	sshra.s32 s7, $0x2;
	v28 =	vld.idx.msk [tilespmem:v13+s5+$0x0], $0xffff;
	[tilespmem:s0+$0x1B7F0] =	vst v0  }
0x9b: {  	v29 =	vld [tilespmem:s8+$0x19700];
	[tilespmem:s0+$0x1B700] =	vst v14  }
0x9c: {  	v0 =	vld [tilespmem:s8+$0x19710];
	[tilespmem:s0+$0x1B710] =	vst v16  }
0x9d: {  	v1 =	vld [tilespmem:s8+$0x19720];
	[tilespmem:s0+$0x1B720] =	vst v17  }
0x9e: {  	v2 =	vld [tilespmem:s8+$0x19730];
	[tilespmem:s0+$0x1B730] =	vst v18  }
0x9f: {  	v3 =	vld [tilespmem:s8+$0x19740];
	[tilespmem:s0+$0x1B740] =	vst v19  }
0xa0: {  	v4 =	vld [tilespmem:s8+$0x19750];
	[tilespmem:s0+$0x1B750] =	vst v20  }
0xa1: {  	v5 =	vld [tilespmem:s8+$0x19760];
	[tilespmem:s0+$0x1B760] =	vst v21  }
0xa2: {  	v7 =	vld [tilespmem:s8+$0x19770];
	[tilespmem:s0+$0x1B770] =	vst v22  }
0xa3: {  	v9 =	vld [tilespmem:s8+$0x19780];
	[tilespmem:s0+$0x1B780] =	vst v23  }
0xa4: {  	v6 =	vld [tilespmem:s8+$0x19790];
	[tilespmem:s0+$0x1B790] =	vst v15  }
0xa5: {  	v8 =	vld [tilespmem:s8+$0x197A0];
	[tilespmem:s0+$0x1B7A0] =	vst v24  }
0xa6: {  	v10 =	vld [tilespmem:s8+$0x197B0];
	[tilespmem:s0+$0x1B7B0] =	vst v25  }
.Ltmp1:
0xa7: {  	v11 =	vld [tilespmem:s8+$0x197C0];
	[tilespmem:s0+$0x1B7C0] =	vst v26;
	(pc) =	sbr.rel @p0 .LBB2_5-.Ltmp1, $4  }
0xa8: {  	v12 =	vld [tilespmem:s8+$0x197D0];
	[tilespmem:s0+$0x1B7D0] =	vst v27  }
0xa9: {  	v13 =	vld [tilespmem:s8+$0x197E0];
	[tilespmem:s0+$0x1B7E0] =	vst v28;
	s0 =	smov.u32 s8  }
0xaa: {  	v15 =	vld [tilespmem:s0+$0x197F0]  }
0xab: {  	s7 =	sadd.s32 $0x400, s7;
	v14 =	vld.idx.msk [tilespmem:v29+s5+$0x0], $0xffff  }
0xac: {  	_ =	sdelay $0x3  }
0xad: {  	v0 =	vld.idx.msk [tilespmem:v0+s5+$0x0], $0xffff  }
0xae: {  	v1 =	vld.idx.msk [tilespmem:v1+s5+$0x0], $0xffff  }
0xaf: {  	v2 =	vld.idx.msk [tilespmem:v2+s5+$0x0], $0xffff  }
0xb0: {  	v3 =	vld.idx.msk [tilespmem:v3+s5+$0x0], $0xffff  }
0xb1: {  	v4 =	vld.idx.msk [tilespmem:v4+s5+$0x0], $0xffff  }
0xb2: {  	v5 =	vld.idx.msk [tilespmem:v5+s5+$0x0], $0xffff  }
0xb3: {  	v7 =	vld.idx.msk [tilespmem:v7+s5+$0x0], $0xffff  }
0xb4: {  	v9 =	vld.idx.msk [tilespmem:v9+s5+$0x0], $0xffff  }
0xb5: {  	v6 =	vld.idx.msk [tilespmem:v6+s5+$0x0], $0xffff  }
0xb6: {  	v8 =	vld.idx.msk [tilespmem:v8+s5+$0x0], $0xffff  }
0xb7: {  	v10 =	vld.idx.msk [tilespmem:v10+s5+$0x0], $0xffff  }
0xb8: {  	v11 =	vld.idx.msk [tilespmem:v11+s5+$0x0], $0xffff  }
0xb9: {  	v12 =	vld.idx.msk [tilespmem:v12+s5+$0x0], $0xffff  }
0xba: {  	v13 =	vld.idx.msk [tilespmem:v13+s5+$0x0], $0xffff  }
0xbb: {  	v15 =	vld.idx.msk [tilespmem:v15+s5+$0x0], $0xffff;
	[tilespmem:s0+$0x1B700] =	vst v14  }
0xbc: {  	[tilespmem:s0+$0x1B710] =	vst v0  }
0xbd: {  	[tilespmem:s0+$0x1B720] =	vst v1  }
0xbe: {  	[tilespmem:s0+$0x1B730] =	vst v2  }
0xbf: {  	[tilespmem:s0+$0x1B740] =	vst v3  }
0xc0: {  	[tilespmem:s0+$0x1B750] =	vst v4  }
0xc1: {  	[tilespmem:s0+$0x1B760] =	vst v5  }
0xc2: {  	[tilespmem:s0+$0x1B770] =	vst v7  }
0xc3: {  	[tilespmem:s0+$0x1B780] =	vst v9  }
0xc4: {  	[tilespmem:s0+$0x1B790] =	vst v6  }
0xc5: {  	[tilespmem:s0+$0x1B7A0] =	vst v8  }
0xc6: {  	[tilespmem:s0+$0x1B7B0] =	vst v10  }
0xc7: {  	[tilespmem:s0+$0x1B7C0] =	vst v11  }
0xc8: {  	[tilespmem:s0+$0x1B7D0] =	vst v12  }
0xc9: {  	[tilespmem:s0+$0x1B7E0] =	vst v13  }
0xca: {  	s8 =	sadd.s32 s30, s11;
	[tilespmem:s0+$0x1B7F0] =	vst v15  }
0xcb: {  	[hbm4b:s8+s16] =	stream.strided.scatter [tilespmem:s24], [sflag:$0x4], $0x1000, s17, s16, $0x38;
	[tilespmem:$0x1C700] =	vst v63  }
0xcc: {  	s15 =	sadd.s32 s2, s12  }
0xcd: {  	[tilespmem:s20], [sflag:$0x3] =	stream.strided.gather [hbm4b:s15+s16], $0x1000, s17, s16, $0x38;
	[tilespmem:$0x1C700] =	vst v63  }
0xce: {  	_ =	swait.ge [sflag:s21], $0x1000  }
0xcf: {  	[sflag:s21] =	ssyncset.done $0x0  }
0xd0: {  	[sflag:s21] =	ssyncadd.s32 $0xFFFFF000  }
0xd1: {  	_ =	swait.ge [sflag:s25], $0x1000  }
0xd2: {  	[sflag:s25] =	ssyncset.done $0x0  }
0xd3: {  	s0 =	simm.s32 $0x0;
	[sflag:s25] =	ssyncadd.s32 $0xFFFFF000  }
0xd4: {  	v14 =	vld [tilespmem:s0+$0x18700]  }
0xd5: {  	v0 =	vld [tilespmem:s0+$0x18710]  }
0xd6: {  	v1 =	vld [tilespmem:s0+$0x18720]  }
0xd7: {  	v2 =	vld [tilespmem:s0+$0x18730]  }
0xd8: {  	v3 =	vld [tilespmem:s0+$0x18740]  }
0xd9: {  	v4 =	vld [tilespmem:s0+$0x18750]  }
0xda: {  	v5 =	vld [tilespmem:s0+$0x18760]  }
0xdb: {  	v7 =	vld [tilespmem:s0+$0x18770]  }
0xdc: {  	v9 =	vld [tilespmem:s0+$0x18780]  }
0xdd: {  	v6 =	vld [tilespmem:s0+$0x18790]  }
0xde: {  	v8 =	vld [tilespmem:s0+$0x187A0]  }
0xdf: {  	v10 =	vld [tilespmem:s0+$0x187B0]  }
0xe0: {  	v11 =	vld [tilespmem:s0+$0x187C0]  }
0xe1: {  	v12 =	vld [tilespmem:s0+$0x187D0]  }
0xe2: {  	v13 =	vld [tilespmem:s0+$0x187E0]  }
0xe3: {  	v15 =	vld [tilespmem:s0+$0x187F0]  }
0xe4: {  	s2 =	simm.s32 $0x400;
	v14 =	vld.idx.msk [tilespmem:v14+s5+$0x0], $0xffff  }
.LBB2_7:
0xe5: {  	p0 =	sne.s32 s2, $0x3C00;
	v16 =	vld.idx.msk [tilespmem:v0+s5+$0x0], $0xffff  }
0xe6: {  	v17 =	vld.idx.msk [tilespmem:v1+s5+$0x0], $0xffff  }
0xe7: {  	v18 =	vld.idx.msk [tilespmem:v2+s5+$0x0], $0xffff  }
0xe8: {  	v19 =	vld.idx.msk [tilespmem:v3+s5+$0x0], $0xffff  }
0xe9: {  	v20 =	vld.idx.msk [tilespmem:v4+s5+$0x0], $0xffff  }
0xea: {  	v21 =	vld.idx.msk [tilespmem:v5+s5+$0x0], $0xffff  }
0xeb: {  	v22 =	vld.idx.msk [tilespmem:v7+s5+$0x0], $0xffff  }
0xec: {  	v23 =	vld.idx.msk [tilespmem:v9+s5+$0x0], $0xffff  }
0xed: {  	v0 =	vld.idx.msk [tilespmem:v15+s5+$0x0], $0xffff  }
0xee: {  	v15 =	vld.idx.msk [tilespmem:v6+s5+$0x0], $0xffff  }
0xef: {  	v24 =	vld.idx.msk [tilespmem:v8+s5+$0x0], $0xffff  }
0xf0: {  	v25 =	vld.idx.msk [tilespmem:v10+s5+$0x0], $0xffff  }
0xf1: {  	v26 =	vld.idx.msk [tilespmem:v11+s5+$0x0], $0xffff  }
0xf2: {  	v27 =	vld.idx.msk [tilespmem:v12+s5+$0x0], $0xffff  }
0xf3: {  	s7 =	sshra.s32 s2, $0x2;
	v28 =	vld.idx.msk [tilespmem:v13+s5+$0x0], $0xffff;
	[tilespmem:s0+$0x1A7F0] =	vst v0  }
0xf4: {  	v29 =	vld [tilespmem:s7+$0x18700];
	[tilespmem:s0+$0x1A700] =	vst v14  }
0xf5: {  	v0 =	vld [tilespmem:s7+$0x18710];
	[tilespmem:s0+$0x1A710] =	vst v16  }
0xf6: {  	v1 =	vld [tilespmem:s7+$0x18720];
	[tilespmem:s0+$0x1A720] =	vst v17  }
0xf7: {  	v2 =	vld [tilespmem:s7+$0x18730];
	[tilespmem:s0+$0x1A730] =	vst v18  }
0xf8: {  	v3 =	vld [tilespmem:s7+$0x18740];
	[tilespmem:s0+$0x1A740] =	vst v19  }
0xf9: {  	v4 =	vld [tilespmem:s7+$0x18750];
	[tilespmem:s0+$0x1A750] =	vst v20  }
0xfa: {  	v5 =	vld [tilespmem:s7+$0x18760];
	[tilespmem:s0+$0x1A760] =	vst v21  }
0xfb: {  	v7 =	vld [tilespmem:s7+$0x18770];
	[tilespmem:s0+$0x1A770] =	vst v22  }
0xfc: {  	v9 =	vld [tilespmem:s7+$0x18780];
	[tilespmem:s0+$0x1A780] =	vst v23  }
0xfd: {  	v6 =	vld [tilespmem:s7+$0x18790];
	[tilespmem:s0+$0x1A790] =	vst v15  }
0xfe: {  	v8 =	vld [tilespmem:s7+$0x187A0];
	[tilespmem:s0+$0x1A7A0] =	vst v24  }
0xff: {  	v10 =	vld [tilespmem:s7+$0x187B0];
	[tilespmem:s0+$0x1A7B0] =	vst v25  }
.Ltmp2:
0x100: {  	v11 =	vld [tilespmem:s7+$0x187C0];
	[tilespmem:s0+$0x1A7C0] =	vst v26;
	(pc) =	sbr.rel @p0 .LBB2_7-.Ltmp2, $4  }
0x101: {  	v12 =	vld [tilespmem:s7+$0x187D0];
	[tilespmem:s0+$0x1A7D0] =	vst v27  }
0x102: {  	v13 =	vld [tilespmem:s7+$0x187E0];
	[tilespmem:s0+$0x1A7E0] =	vst v28;
	s0 =	smov.u32 s7  }
0x103: {  	v15 =	vld [tilespmem:s0+$0x187F0]  }
0x104: {  	s2 =	sadd.s32 $0x400, s2;
	v14 =	vld.idx.msk [tilespmem:v29+s5+$0x0], $0xffff  }
0x105: {  	_ =	sdelay $0x3  }
0x106: {  	v0 =	vld.idx.msk [tilespmem:v0+s5+$0x0], $0xffff  }
0x107: {  	v1 =	vld.idx.msk [tilespmem:v1+s5+$0x0], $0xffff  }
0x108: {  	v2 =	vld.idx.msk [tilespmem:v2+s5+$0x0], $0xffff  }
0x109: {  	v3 =	vld.idx.msk [tilespmem:v3+s5+$0x0], $0xffff  }
0x10a: {  	v4 =	vld.idx.msk [tilespmem:v4+s5+$0x0], $0xffff  }
0x10b: {  	v5 =	vld.idx.msk [tilespmem:v5+s5+$0x0], $0xffff  }
0x10c: {  	v7 =	vld.idx.msk [tilespmem:v7+s5+$0x0], $0xffff  }
0x10d: {  	v9 =	vld.idx.msk [tilespmem:v9+s5+$0x0], $0xffff  }
0x10e: {  	v6 =	vld.idx.msk [tilespmem:v6+s5+$0x0], $0xffff  }
0x10f: {  	v8 =	vld.idx.msk [tilespmem:v8+s5+$0x0], $0xffff  }
0x110: {  	v10 =	vld.idx.msk [tilespmem:v10+s5+$0x0], $0xffff  }
0x111: {  	v11 =	vld.idx.msk [tilespmem:v11+s5+$0x0], $0xffff  }
0x112: {  	v12 =	vld.idx.msk [tilespmem:v12+s5+$0x0], $0xffff  }
0x113: {  	v13 =	vld.idx.msk [tilespmem:v13+s5+$0x0], $0xffff  }
0x114: {  	v15 =	vld.idx.msk [tilespmem:v15+s5+$0x0], $0xffff;
	[tilespmem:s0+$0x1A700] =	vst v14  }
0x115: {  	[tilespmem:s0+$0x1A710] =	vst v0  }
0x116: {  	[tilespmem:s0+$0x1A720] =	vst v1  }
0x117: {  	[tilespmem:s0+$0x1A730] =	vst v2  }
0x118: {  	[tilespmem:s0+$0x1A740] =	vst v3  }
0x119: {  	[tilespmem:s0+$0x1A750] =	vst v4  }
0x11a: {  	[tilespmem:s0+$0x1A760] =	vst v5  }
0x11b: {  	[tilespmem:s0+$0x1A770] =	vst v7  }
0x11c: {  	[tilespmem:s0+$0x1A780] =	vst v9  }
0x11d: {  	[tilespmem:s0+$0x1A790] =	vst v6  }
0x11e: {  	[tilespmem:s0+$0x1A7A0] =	vst v8  }
0x11f: {  	[tilespmem:s0+$0x1A7B0] =	vst v10  }
0x120: {  	[tilespmem:s0+$0x1A7C0] =	vst v11  }
0x121: {  	[tilespmem:s0+$0x1A7D0] =	vst v12  }
0x122: {  	p0 =	seq.s32 s28, $0x19;
	[tilespmem:s0+$0x1A7E0] =	vst v13  }
0x123: {  	s15 =	sadd.s32 s30, s13;
	s2 =	sshll.u32 @!p0 s31, $0x7;
	[tilespmem:s0+$0x1A7F0] =	vst v15;
	s0 =	sshll.u32 @!p0 s31, $0xE  }
0x124: {  	[hbm4b:s15+s16] =	stream.strided.scatter [tilespmem:s22], [sflag:$0x4], $0x1000, s17, s16, $0x38;
	[tilespmem:$0x1C700] =	vst v63  }
0x125: {  	s2 =	sand.u32 @!p0 $0x380, s2;
	s0 =	sand.u32 @!p0 $0xFFFE0000, s0  }
0x126: {  	s0 =	sor.u32 @!p0 s2, s0  }
0x127: {  	s7 =	simm.s32 @!p0 $0x400;
	s0 =	sshrl.u32 @!p0 s0, $0x3  }
0x128: {  	s8 =	simm.s32 @!p0 $0x18700;
	s2 =	simm.s32 @!p0 $0x80;
	s0 =	sadd.s32 @!p0 s3, s0  }
0x129: {  	[tilespmem:s8], [sflag:$0x2] =	stream.strided.gather @!p0 [hbm4b:s0+s2], $0x1000, s7, s2, $0x38;
	[tilespmem:$0x1C700] =	vst v63  }
0x12a: {  	_ =	swait.ge [sflag:s23], $0x1000  }
0x12b: {  	[sflag:s23] =	ssyncset.done $0x0  }
0x12c: {  	[sflag:s23] =	ssyncadd.s32 $0xFFFFF000  }
0x12d: {  	_ =	swait.ge [sflag:s25], $0x1000  }
0x12e: {  	[sflag:s25] =	ssyncset.done $0x0  }
0x12f: {  	s0 =	simm.s32 $0x0;
	[sflag:s25] =	ssyncadd.s32 $0xFFFFF000  }
0x130: {  	v14 =	vld [tilespmem:s0+$0x19700]  }
0x131: {  	v0 =	vld [tilespmem:s0+$0x19710]  }
0x132: {  	v1 =	vld [tilespmem:s0+$0x19720]  }
0x133: {  	v2 =	vld [tilespmem:s0+$0x19730]  }
0x134: {  	v3 =	vld [tilespmem:s0+$0x19740]  }
0x135: {  	v4 =	vld [tilespmem:s0+$0x19750]  }
0x136: {  	v5 =	vld [tilespmem:s0+$0x19760]  }
0x137: {  	v7 =	vld [tilespmem:s0+$0x19770]  }
0x138: {  	v9 =	vld [tilespmem:s0+$0x19780]  }
0x139: {  	v6 =	vld [tilespmem:s0+$0x19790]  }
0x13a: {  	v8 =	vld [tilespmem:s0+$0x197A0]  }
0x13b: {  	v10 =	vld [tilespmem:s0+$0x197B0]  }
0x13c: {  	v11 =	vld [tilespmem:s0+$0x197C0]  }
0x13d: {  	v12 =	vld [tilespmem:s0+$0x197D0]  }
0x13e: {  	v13 =	vld [tilespmem:s0+$0x197E0]  }
0x13f: {  	v15 =	vld [tilespmem:s0+$0x197F0]  }
0x140: {  	s2 =	simm.s32 $0x400;
	v14 =	vld.idx.msk [tilespmem:v14+s5+$0x0], $0xffff  }
.LBB2_9:
0x141: {  	p1 =	sne.s32 s2, $0x3C00;
	v16 =	vld.idx.msk [tilespmem:v0+s5+$0x0], $0xffff  }
0x142: {  	v17 =	vld.idx.msk [tilespmem:v1+s5+$0x0], $0xffff  }
0x143: {  	v18 =	vld.idx.msk [tilespmem:v2+s5+$0x0], $0xffff  }
0x144: {  	v19 =	vld.idx.msk [tilespmem:v3+s5+$0x0], $0xffff  }
0x145: {  	v20 =	vld.idx.msk [tilespmem:v4+s5+$0x0], $0xffff  }
0x146: {  	v21 =	vld.idx.msk [tilespmem:v5+s5+$0x0], $0xffff  }
0x147: {  	v22 =	vld.idx.msk [tilespmem:v7+s5+$0x0], $0xffff  }
0x148: {  	v23 =	vld.idx.msk [tilespmem:v9+s5+$0x0], $0xffff  }
0x149: {  	v0 =	vld.idx.msk [tilespmem:v15+s5+$0x0], $0xffff  }
0x14a: {  	v15 =	vld.idx.msk [tilespmem:v6+s5+$0x0], $0xffff  }
0x14b: {  	v24 =	vld.idx.msk [tilespmem:v8+s5+$0x0], $0xffff  }
0x14c: {  	v25 =	vld.idx.msk [tilespmem:v10+s5+$0x0], $0xffff  }
0x14d: {  	v26 =	vld.idx.msk [tilespmem:v11+s5+$0x0], $0xffff  }
0x14e: {  	v27 =	vld.idx.msk [tilespmem:v12+s5+$0x0], $0xffff  }
0x14f: {  	s7 =	sshra.s32 s2, $0x2;
	v28 =	vld.idx.msk [tilespmem:v13+s5+$0x0], $0xffff;
	[tilespmem:s0+$0x1B7F0] =	vst v0  }
0x150: {  	v29 =	vld [tilespmem:s7+$0x19700];
	[tilespmem:s0+$0x1B700] =	vst v14  }
0x151: {  	v0 =	vld [tilespmem:s7+$0x19710];
	[tilespmem:s0+$0x1B710] =	vst v16  }
0x152: {  	v1 =	vld [tilespmem:s7+$0x19720];
	[tilespmem:s0+$0x1B720] =	vst v17  }
0x153: {  	v2 =	vld [tilespmem:s7+$0x19730];
	[tilespmem:s0+$0x1B730] =	vst v18  }
0x154: {  	v3 =	vld [tilespmem:s7+$0x19740];
	[tilespmem:s0+$0x1B740] =	vst v19  }
0x155: {  	v4 =	vld [tilespmem:s7+$0x19750];
	[tilespmem:s0+$0x1B750] =	vst v20  }
0x156: {  	v5 =	vld [tilespmem:s7+$0x19760];
	[tilespmem:s0+$0x1B760] =	vst v21  }
0x157: {  	v7 =	vld [tilespmem:s7+$0x19770];
	[tilespmem:s0+$0x1B770] =	vst v22  }
0x158: {  	v9 =	vld [tilespmem:s7+$0x19780];
	[tilespmem:s0+$0x1B780] =	vst v23  }
0x159: {  	v6 =	vld [tilespmem:s7+$0x19790];
	[tilespmem:s0+$0x1B790] =	vst v15  }
0x15a: {  	v8 =	vld [tilespmem:s7+$0x197A0];
	[tilespmem:s0+$0x1B7A0] =	vst v24  }
0x15b: {  	v10 =	vld [tilespmem:s7+$0x197B0];
	[tilespmem:s0+$0x1B7B0] =	vst v25  }
.Ltmp3:
0x15c: {  	v11 =	vld [tilespmem:s7+$0x197C0];
	[tilespmem:s0+$0x1B7C0] =	vst v26;
	(pc) =	sbr.rel @p1 .LBB2_9-.Ltmp3, $4  }
0x15d: {  	v12 =	vld [tilespmem:s7+$0x197D0];
	[tilespmem:s0+$0x1B7D0] =	vst v27  }
0x15e: {  	v13 =	vld [tilespmem:s7+$0x197E0];
	[tilespmem:s0+$0x1B7E0] =	vst v28;
	s0 =	smov.u32 s7  }
0x15f: {  	v15 =	vld [tilespmem:s0+$0x197F0]  }
0x160: {  	s2 =	sadd.s32 $0x400, s2;
	v14 =	vld.idx.msk [tilespmem:v29+s5+$0x0], $0xffff  }
0x161: {  	_ =	sdelay $0x3  }
0x162: {  	v0 =	vld.idx.msk [tilespmem:v0+s5+$0x0], $0xffff  }
0x163: {  	v1 =	vld.idx.msk [tilespmem:v1+s5+$0x0], $0xffff  }
0x164: {  	v2 =	vld.idx.msk [tilespmem:v2+s5+$0x0], $0xffff  }
0x165: {  	v3 =	vld.idx.msk [tilespmem:v3+s5+$0x0], $0xffff  }
0x166: {  	v4 =	vld.idx.msk [tilespmem:v4+s5+$0x0], $0xffff  }
0x167: {  	v5 =	vld.idx.msk [tilespmem:v5+s5+$0x0], $0xffff  }
0x168: {  	v7 =	vld.idx.msk [tilespmem:v7+s5+$0x0], $0xffff  }
0x169: {  	v9 =	vld.idx.msk [tilespmem:v9+s5+$0x0], $0xffff  }
0x16a: {  	v6 =	vld.idx.msk [tilespmem:v6+s5+$0x0], $0xffff  }
0x16b: {  	v8 =	vld.idx.msk [tilespmem:v8+s5+$0x0], $0xffff  }
0x16c: {  	v10 =	vld.idx.msk [tilespmem:v10+s5+$0x0], $0xffff  }
0x16d: {  	v11 =	vld.idx.msk [tilespmem:v11+s5+$0x0], $0xffff  }
0x16e: {  	v12 =	vld.idx.msk [tilespmem:v12+s5+$0x0], $0xffff  }
0x16f: {  	v13 =	vld.idx.msk [tilespmem:v13+s5+$0x0], $0xffff  }
0x170: {  	v15 =	vld.idx.msk [tilespmem:v15+s5+$0x0], $0xffff;
	[tilespmem:s0+$0x1B700] =	vst v14  }
0x171: {  	[tilespmem:s0+$0x1B710] =	vst v0  }
0x172: {  	[tilespmem:s0+$0x1B720] =	vst v1  }
0x173: {  	[tilespmem:s0+$0x1B730] =	vst v2  }
0x174: {  	[tilespmem:s0+$0x1B740] =	vst v3  }
0x175: {  	[tilespmem:s0+$0x1B750] =	vst v4  }
0x176: {  	[tilespmem:s0+$0x1B760] =	vst v5  }
0x177: {  	[tilespmem:s0+$0x1B770] =	vst v7  }
0x178: {  	[tilespmem:s0+$0x1B780] =	vst v9  }
0x179: {  	[tilespmem:s0+$0x1B790] =	vst v6  }
0x17a: {  	s2 =	sshrl.u32 @!p0 s29, $0x3;
	[tilespmem:s0+$0x1B7A0] =	vst v8  }
0x17b: {  	s7 =	sshll.u32 @!p0 s29, $0x7;
	s2 =	smul.u32 @!p0 $0xC3800, s2;
	[tilespmem:s0+$0x1B7B0] =	vst v10  }
0x17c: {  	s7 =	sand.u32 @!p0 $0x380, s7;
	[tilespmem:s0+$0x1B7C0] =	vst v11  }
0x17d: {  	s2 =	sor.u32 @!p0 s7, s2;
	[tilespmem:s0+$0x1B7D0] =	vst v12  }
0x17e: {  	s8 =	simm.s32 @!p0 $0x0;
	s28 =	sadd.s32 $0x1, s28;
	s2 =	sshrl.u32 @!p0 s2, $0x3;
	[tilespmem:s0+$0x1B7E0] =	vst v13  }
0x17f: {  	s7 =	simm.s32 @!p0 $0x400;
	s2 =	sadd.s32 @!p0 s1, s2;
	[tilespmem:s0+$0x1B7F0] =	vst v15;
	s0 =	simm.s32 @!p0 $0x80  }
0x180: {  	[tilespmem:s8], [sflag:$0x1] =	stream.strided.gather @!p0 [hbm4b:s2+s0], $0x18700, s7, s0, $0x38;
	[tilespmem:$0x1C700] =	vst v63  }
0x181: {  	p0 =	sne.s32 s28, $0x1A  }
.Ltmp4:
0x182: {  	_ = 	snop;
	(pc) =	sbr.rel @p0 .LBB2_2-.Ltmp4, $3  }
0x183: {  	_ =	sdelay $0x1  }
0x184: {  	s31 =	sadd.s32 s30, s14  }
0x185: {  	[hbm4b:s31+s16] =	stream.strided.scatter [tilespmem:s24], [sflag:$0x4], $0x1000, s17, s16, $0x38;
	[tilespmem:$0x1C700] =	vst v63  }
0x186: {  	_ =	swait.ge [sflag:s25], $0x1000  }
0x187: {  	[sflag:s25] =	ssyncset.done $0x0  }
0x188: {  	[sflag:s25] =	ssyncadd.s32 $0xFFFFF000  }
0x189: {  	_ =	swait.ge [sflag:s25], $0x1000  }
0x18a: {  	s26 =	sadd.s32 $0x1, s26;
	s0 =	rddreg [dreg:$0x6]  }
0x18b: {  	p0 =	sne.s32 s26, s0  }
.Ltmp5:
0x18c: {  	_ = 	snop;
	(pc) =	sbr.rel @p0 .LBB2_1-.Ltmp5, $3  }
0x18d: {  	_ =	sdelay $0x1  }
0x18e: {  	[sflag:s25] =	ssyncset.done $0x0  }
0x18f: {  	[sflag:s25] =	ssyncadd.s32 $0xFFFFF000  }
0x190: {  	_ =	sfence.sel $0x180000  }
0x191: {  	[bflag:$0x0] =	sbarrier.arrive $0xFFFF  }
0x192: {  	_ =	strace $0x90000047  }
0x193: {  	s0 =	stileid.u32;
	[bflag:$0x2] =	sbarrier.arrive $0xFFFF  }
0x194: {  	p0 =	sne.s32 s0, $0x0;
	s0 =	rddreg [dreg:$0x3]  }
0x195: {  	s0 =	sadd.s32 @!p0 $0x100000, s0  }
0x196: {  	[sflag:s0] =	ssyncadd.tile.s32 @!p0 $0x1;
	_ =	shalt  }
.Lfunc_end2:
_tile_overlayer_lowered:
.L_overlay_start_2:
0x197: {  	(tag) =	ssettag $0x2  }
0x198: {  	s0 =	rddreg [dreg:$0x0];
	s2 =	stileid.u32  }
0x199: {  	s1 =	rddreg [dreg:$0x1];
	p0 =	sne.s32 s2, $0x0  }
0x19a: {  	s3 =	rddreg [dreg:$0x2];
	[bflag:$0x3] =	sbarrier.arrive $0xFFFF;
	s2 =	simm.s32 @!p0 $0x1C05  }
0x19b: {  	[timem:s3], [sflag:s2] =	dma.local @!p0 [hbm:s0], s1  }
0x19c: {  	s0 =	simm.s32 @!p0 $0x5  }
0x19d: {  	_ =	swait.ge @!p0 [sflag:s0], s1  }
0x19e: {  	s1 =	ssub.s32 @!p0 $0x0, s1;
	[sflag:s0] =	ssyncset.done @!p0 $0x0  }
0x19f: {  	[sflag:s0] =	ssyncadd.s32 @!p0 s1  }
0x1a0: {  	[bflag:$0x3] =	sbarrier.arrive $0xFFFF  }
0x1a1: {  	_ =	shalt  }

</sc_bundles>
